<compile_context>
chip_gen: v7x
topology: tpu7x:2x2x1
jax: 0.10.2.dev20260603
libtpu: 0.0.44.dev20260713+nightly
codegen_flags: <defaults>
</compile_context>

<pallas_src>
import functools

import jax
import jax.numpy as jnp
from jax import lax
from jax.experimental import pallas as pl
from jax.experimental.pallas import tpu as pltpu
from jax.experimental.pallas import tpu_sc as plsc

NC = 2
NS = 16
NW = NC * NS
TOKC = 4
NBUF = 3


@functools.lru_cache(maxsize=None)
def _make_gather(n_tok: int, s: int, d: int):
    tw = n_tok // NW
    n_chunks = tw // TOKC
    mesh = plsc.VectorSubcoreMesh(core_axis_name="c", subcore_axis_name="s")

    @functools.partial(
        pl.kernel,
        mesh=mesh,
        out_type=jax.ShapeDtypeStruct((n_tok, s, d), jnp.float32),
        scratch_types=[
            pltpu.VMEM((tw, s), jnp.int32),
            pltpu.VMEM((NBUF, TOKC, s, d), jnp.float32),
            pltpu.SemaphoreType.DMA((NBUF,)),
            pltpu.SemaphoreType.DMA((NBUF,)),
        ],
    )
    def k(table_hbm, idx_hbm, out_hbm, idx_v, bufs, sem_in, sem_out):
        wid = lax.axis_index("s") * NC + lax.axis_index("c")
        tok0 = wid * tw
        pltpu.sync_copy(idx_hbm.at[wid], idx_v)

        def gathers(c, slot):
            for t in range(TOKC):
                pltpu.make_async_copy(
                    table_hbm.at[idx_v.at[c * TOKC + t]],
                    bufs.at[slot].at[t], sem_in.at[slot]).start()

        def wait_gathers(c, slot):
            for t in range(TOKC):
                pltpu.make_async_copy(
                    table_hbm.at[idx_v.at[c * TOKC + t]],
                    bufs.at[slot].at[t], sem_in.at[slot]).wait()

        def put(c, slot):
            return pltpu.make_async_copy(
                bufs.at[slot],
                out_hbm.at[pl.ds(tok0 + c * TOKC, TOKC)],
                sem_out.at[slot])

        for b in range(NBUF - 1):
            gathers(b, b)

        def body(c, carry):
            cur = c % NBUF
            ahead = (c + NBUF - 1) % NBUF

            @pl.when(c >= 1)
            def _():
                put(c - 1, ahead).wait()

            @pl.when(c + NBUF - 1 < n_chunks)
            def _():
                gathers(c + NBUF - 1, ahead)

            wait_gathers(c, cur)
            put(c, cur).start()
            return carry

        lax.fori_loop(0, n_chunks, body, 0)
        put(n_chunks - 1, (n_chunks - 1) % NBUF).wait()

    return k


def kernel(token_ids, weight):
    b, s = token_ids.shape
    _, d = weight.shape
    idx = token_ids.reshape(NW, b // NW, s).astype(jnp.int32)
    return _make_gather(b, s, d)(weight, idx)

# --- scband reference (transcript-rebuilt; emitter-appended) ---
"""Pipeline reference for scband-embedding-2714419331310 (READ-ONLY COPY).

The authoritative reference and input builder live on the scoring server;
editing this copy changes nothing except your own understanding.
"""

import jax, jax.numpy as jnp
import numpy as np

NUM_EMBEDDINGS = 100000
EMBEDDING_DIM = 128

def setup_inputs(seed: int = 0) -> dict:
    key = jax.random.key(seed)
    k1, k2 = jax.random.split(key)
    token_ids = jax.random.randint(k1, (4096, 50), 0, NUM_EMBEDDINGS, dtype=jnp.int64)
    # trunc_normal_(mean=0, std=1, a=-3, b=3)
    weight = jax.random.truncated_normal(k2, -3.0, 3.0, (NUM_EMBEDDINGS, EMBEDDING_DIM), dtype=jnp.float32)
    return {"token_ids": token_ids, "weight": weight}

def reference(token_ids, weight):
    # Faithful translation of Embedding.forward: self.weight[token_ids.long()]
    return jnp.take(weight, token_ids.astype(jnp.int32), axis=0)

if __name__ == "__main__":
    import jax
    _d = setup_inputs()
    print(jax.jit(kernel)(*tuple(_d.values())))

</pallas_src>

<mosaic_0001>
#map = affine_map<(d0, d1) -> (0, 0)>
#map1 = affine_map<(d0, d1) -> (0, 0, 0)>
module attributes {stable_mosaic.version = 14 : i64} {
  func.func @k(%arg0: i32, %arg1: i32, %arg2: memref<100000x128xf32, #tpu.memory_space<hbm>>, %arg3: memref<32x128x50xi32, #tpu.memory_space<hbm>>, %arg4: memref<4096x50x128xf32, #tpu.memory_space<hbm>>, %arg5: memref<128x50xi32, #tpu.memory_space<vmem>>, %arg6: memref<3x4x50x128xf32, #tpu.memory_space<vmem>>, %arg7: memref<3x!tpu.dma_semaphore, #tpu.memory_space<semaphore_mem>>, %arg8: memref<3x!tpu.dma_semaphore, #tpu.memory_space<semaphore_mem>>) attributes {dimension_semantics = [#tpu.dimension_semantics<core_parallel>, #tpu.dimension_semantics<subcore_parallel>], iteration_bounds = array<i64: 2, 16>, scalar_prefetch = 0 : i64, scratch_operands = 4 : i64, tpu.core_type = #tpu.core_type<sc_vector_subcore>, window_params = [{transform_indices = #map}, {transform_indices = #map1}, {transform_indices = #map1}]} {
    %mul3A = arith.constant 2 : i32
    %mul3A_0 = arith.muli %arg1, %mul3A : i32
    %add3A = arith.addi %mul3A_0, %arg0 : i32
    %mul3A_1 = arith.constant 128 : i32
    %mul3A_2 = arith.muli %add3A, %mul3A_1 : i32
    "tpu.region"() ({
      %run_scoped3A = tpu.sem_alloc : memref<!tpu.dma_semaphore, #tpu.memory_space<semaphore_mem>>
      %dma_start3A_196 = arith.constant 0 : i32
      %dma_start3A_197 = arith.constant 0 : i32
      %dma_start3A_198 = tpu.memref_slice %arg3[%add3A, %dma_start3A_196, %dma_start3A_197] : memref<32x128x50xi32, #tpu.memory_space<hbm>> -> memref<1x128x50xi32, #tpu.memory_space<hbm>>
      %dma_start3A_199 = tpu.memref_squeeze %dma_start3A_198 : memref<1x128x50xi32, #tpu.memory_space<hbm>> -> memref<128x50xi32, #tpu.memory_space<hbm>>
      %dma_start3A_200 = arith.constant 0 : i32
      %dma_start3A_201 = arith.constant 0 : i32
      %dma_start3A_202 = tpu.memref_slice %arg3[%add3A, %dma_start3A_200, %dma_start3A_201] : memref<32x128x50xi32, #tpu.memory_space<hbm>> -> memref<1x128x50xi32, #tpu.memory_space<hbm>>
      %dma_start3A_203 = tpu.memref_squeeze %dma_start3A_202 : memref<1x128x50xi32, #tpu.memory_space<hbm>> -> memref<128x50xi32, #tpu.memory_space<hbm>>
      tpu.enqueue_dma source(%dma_start3A_203 : memref<128x50xi32, #tpu.memory_space<hbm>>) target(%arg5 : memref<128x50xi32, #tpu.memory_space<vmem>>) target_semaphore(%run_scoped3A : memref<!tpu.dma_semaphore, #tpu.memory_space<semaphore_mem>>)
      %dma_wait3A_204 = arith.constant 0 : i32
      %dma_wait3A_205 = arith.constant 0 : i32
      %dma_wait3A_206 = tpu.memref_slice %arg3[%add3A, %dma_wait3A_204, %dma_wait3A_205] : memref<32x128x50xi32, #tpu.memory_space<hbm>> -> memref<1x128x50xi32, #tpu.memory_space<hbm>>
      %dma_wait3A_207 = tpu.memref_squeeze %dma_wait3A_206 : memref<1x128x50xi32, #tpu.memory_space<hbm>> -> memref<128x50xi32, #tpu.memory_space<hbm>>
      %dma_wait3A_208 = arith.constant 0 : i32
      %dma_wait3A_209 = arith.constant 0 : i32
      %dma_wait3A_210 = tpu.memref_slice %arg3[%add3A, %dma_wait3A_208, %dma_wait3A_209] : memref<32x128x50xi32, #tpu.memory_space<hbm>> -> memref<1x128x50xi32, #tpu.memory_space<hbm>>
      %dma_wait3A_211 = tpu.memref_squeeze %dma_wait3A_210 : memref<1x128x50xi32, #tpu.memory_space<hbm>> -> memref<128x50xi32, #tpu.memory_space<hbm>>
      tpu.wait_dma2 semaphore(%run_scoped3A : memref<!tpu.dma_semaphore, #tpu.memory_space<semaphore_mem>>) src(%dma_wait3A_211 : memref<128x50xi32, #tpu.memory_space<hbm>>) dst(%arg5 : memref<128x50xi32, #tpu.memory_space<vmem>>)
      tpu.yield
    }) : () -> ()
    %dma_start3A = arith.constant 0 : i32
    %dma_start3A_3 = arith.constant 0 : i32
    %dma_start3A_4 = arith.constant 0 : i32
    %dma_start3A_5 = arith.constant 0 : i32
    %dma_start3A_6 = arith.constant 0 : i32
    %dma_start3A_7 = arith.constant 0 : i32
    %dma_start3A_8 = arith.constant 0 : i32
    %dma_start3A_9 = tpu.memref_slice %arg6[%dma_start3A_3, %dma_start3A_6, %dma_start3A_7, %dma_start3A_8] : memref<3x4x50x128xf32, #tpu.memory_space<vmem>> -> memref<1x4x50x128xf32, #tpu.memory_space<vmem>>
    %dma_start3A_10 = tpu.memref_squeeze %dma_start3A_9 : memref<1x4x50x128xf32, #tpu.memory_space<vmem>> -> memref<4x50x128xf32, #tpu.memory_space<vmem>>
    %dma_start3A_11 = arith.constant 0 : i32
    %dma_start3A_12 = arith.constant 0 : i32
    %dma_start3A_13 = tpu.memref_slice %dma_start3A_10[%dma_start3A_4, %dma_start3A_11, %dma_start3A_12] : memref<4x50x128xf32, #tpu.memory_space<vmem>> -> memref<1x50x128xf32, #tpu.memory_space<vmem>>
    %dma_start3A_14 = tpu.memref_squeeze %dma_start3A_13 : memref<1x50x128xf32, #tpu.memory_space<vmem>> -> memref<50x128xf32, #tpu.memory_space<vmem>>
    %dma_start3A_15 = arith.constant 0 : i32
    %dma_start3A_16 = tpu.memref_slice %arg5[%dma_start3A, %dma_start3A_15] : memref<128x50xi32, #tpu.memory_space<vmem>> -> memref<1x50xi32, #tpu.memory_space<vmem>>
    %dma_start3A_17 = tpu.memref_squeeze %dma_start3A_16 : memref<1x50xi32, #tpu.memory_space<vmem>> -> memref<50xi32, #tpu.memory_space<vmem>>
    %dma_start3A_18 = arith.constant 0 : i32
    %dma_start3A_19 = arith.constant 0 : i32
    %dma_start3A_20 = tpu.memref_slice %arg2[%dma_start3A_18, %dma_start3A_19] : memref<100000x128xf32, #tpu.memory_space<hbm>> -> memref<100000x128xf32, #tpu.memory_space<hbm>>
    %dma_start3A_21 = tpu.memref_slice %arg7[%dma_start3A_5] : memref<3x!tpu.dma_semaphore, #tpu.memory_space<semaphore_mem>> -> memref<1x!tpu.dma_semaphore, #tpu.memory_space<semaphore_mem>>
    %dma_start3A_22 = tpu.memref_squeeze %dma_start3A_21 : memref<1x!tpu.dma_semaphore, #tpu.memory_space<semaphore_mem>> -> memref<!tpu.dma_semaphore, #tpu.memory_space<semaphore_mem>>
    tpu.enqueue_indirect_dma source(%dma_start3A_20 : memref<100000x128xf32, #tpu.memory_space<hbm>>) target(%dma_start3A_14 : memref<50x128xf32, #tpu.memory_space<vmem>>) offsets(%dma_start3A_17 : memref<50xi32, #tpu.memory_space<vmem>>) semaphore(%dma_start3A_22 : memref<!tpu.dma_semaphore, #tpu.memory_space<semaphore_mem>>)
    %dma_start3A_23 = arith.constant 1 : i32
    %dma_start3A_24 = arith.constant 0 : i32
    %dma_start3A_25 = arith.constant 1 : i32
    %dma_start3A_26 = arith.constant 0 : i32
    %dma_start3A_27 = arith.constant 0 : i32
    %dma_start3A_28 = arith.constant 0 : i32
    %dma_start3A_29 = arith.constant 0 : i32
    %dma_start3A_30 = tpu.memref_slice %arg6[%dma_start3A_24, %dma_start3A_27, %dma_start3A_28, %dma_start3A_29] : memref<3x4x50x128xf32, #tpu.memory_space<vmem>> -> memref<1x4x50x128xf32, #tpu.memory_space<vmem>>
    %dma_start3A_31 = tpu.memref_squeeze %dma_start3A_30 : memref<1x4x50x128xf32, #tpu.memory_space<vmem>> -> memref<4x50x128xf32, #tpu.memory_space<vmem>>
    %dma_start3A_32 = arith.constant 0 : i32
    %dma_start3A_33 = arith.constant 0 : i32
    %dma_start3A_34 = tpu.memref_slice %dma_start3A_31[%dma_start3A_25, %dma_start3A_32, %dma_start3A_33] : memref<4x50x128xf32, #tpu.memory_space<vmem>> -> memref<1x50x128xf32, #tpu.memory_space<vmem>>
    %dma_start3A_35 = tpu.memref_squeeze %dma_start3A_34 : memref<1x50x128xf32, #tpu.memory_space<vmem>> -> memref<50x128xf32, #tpu.memory_space<vmem>>
    %dma_start3A_36 = arith.constant 0 : i32
    %dma_start3A_37 = tpu.memref_slice %arg5[%dma_start3A_23, %dma_start3A_36] : memref<128x50xi32, #tpu.memory_space<vmem>> -> memref<1x50xi32, #tpu.memory_space<vmem>>
    %dma_start3A_38 = tpu.memref_squeeze %dma_start3A_37 : memref<1x50xi32, #tpu.memory_space<vmem>> -> memref<50xi32, #tpu.memory_space<vmem>>
    %dma_start3A_39 = arith.constant 0 : i32
    %dma_start3A_40 = arith.constant 0 : i32
    %dma_start3A_41 = tpu.memref_slice %arg2[%dma_start3A_39, %dma_start3A_40] : memref<100000x128xf32, #tpu.memory_space<hbm>> -> memref<100000x128xf32, #tpu.memory_space<hbm>>
    %dma_start3A_42 = tpu.memref_slice %arg7[%dma_start3A_26] : memref<3x!tpu.dma_semaphore, #tpu.memory_space<semaphore_mem>> -> memref<1x!tpu.dma_semaphore, #tpu.memory_space<semaphore_mem>>
    %dma_start3A_43 = tpu.memref_squeeze %dma_start3A_42 : memref<1x!tpu.dma_semaphore, #tpu.memory_space<semaphore_mem>> -> memref<!tpu.dma_semaphore, #tpu.memory_space<semaphore_mem>>
    tpu.enqueue_indirect_dma source(%dma_start3A_41 : memref<100000x128xf32, #tpu.memory_space<hbm>>) target(%dma_start3A_35 : memref<50x128xf32, #tpu.memory_space<vmem>>) offsets(%dma_start3A_38 : memref<50xi32, #tpu.memory_space<vmem>>) semaphore(%dma_start3A_43 : memref<!tpu.dma_semaphore, #tpu.memory_space<semaphore_mem>>)
    %dma_start3A_44 = arith.constant 2 : i32
    %dma_start3A_45 = arith.constant 0 : i32
    %dma_start3A_46 = arith.constant 2 : i32
    %dma_start3A_47 = arith.constant 0 : i32
    %dma_start3A_48 = arith.constant 0 : i32
    %dma_start3A_49 = arith.constant 0 : i32
    %dma_start3A_50 = arith.constant 0 : i32
    %dma_start3A_51 = tpu.memref_slice %arg6[%dma_start3A_45, %dma_start3A_48, %dma_start3A_49, %dma_start3A_50] : memref<3x4x50x128xf32, #tpu.memory_space<vmem>> -> memref<1x4x50x128xf32, #tpu.memory_space<vmem>>
    %dma_start3A_52 = tpu.memref_squeeze %dma_start3A_51 : memref<1x4x50x128xf32, #tpu.memory_space<vmem>> -> memref<4x50x128xf32, #tpu.memory_space<vmem>>
    %dma_start3A_53 = arith.constant 0 : i32
    %dma_start3A_54 = arith.constant 0 : i32
    %dma_start3A_55 = tpu.memref_slice %dma_start3A_52[%dma_start3A_46, %dma_start3A_53, %dma_start3A_54] : memref<4x50x128xf32, #tpu.memory_space<vmem>> -> memref<1x50x128xf32, #tpu.memory_space<vmem>>
    %dma_start3A_56 = tpu.memref_squeeze %dma_start3A_55 : memref<1x50x128xf32, #tpu.memory_space<vmem>> -> memref<50x128xf32, #tpu.memory_space<vmem>>
    %dma_start3A_57 = arith.constant 0 : i32
    %dma_start3A_58 = tpu.memref_slice %arg5[%dma_start3A_44, %dma_start3A_57] : memref<128x50xi32, #tpu.memory_space<vmem>> -> memref<1x50xi32, #tpu.memory_space<vmem>>
    %dma_start3A_59 = tpu.memref_squeeze %dma_start3A_58 : memref<1x50xi32, #tpu.memory_space<vmem>> -> memref<50xi32, #tpu.memory_space<vmem>>
    %dma_start3A_60 = arith.constant 0 : i32
    %dma_start3A_61 = arith.constant 0 : i32
    %dma_start3A_62 = tpu.memref_slice %arg2[%dma_start3A_60, %dma_start3A_61] : memref<100000x128xf32, #tpu.memory_space<hbm>> -> memref<100000x128xf32, #tpu.memory_space<hbm>>
    %dma_start3A_63 = tpu.memref_slice %arg7[%dma_start3A_47] : memref<3x!tpu.dma_semaphore, #tpu.memory_space<semaphore_mem>> -> memref<1x!tpu.dma_semaphore, #tpu.memory_space<semaphore_mem>>
    %dma_start3A_64 = tpu.memref_squeeze %dma_start3A_63 : memref<1x!tpu.dma_semaphore, #tpu.memory_space<semaphore_mem>> -> memref<!tpu.dma_semaphore, #tpu.memory_space<semaphore_mem>>
    tpu.enqueue_indirect_dma source(%dma_start3A_62 : memref<100000x128xf32, #tpu.memory_space<hbm>>) target(%dma_start3A_56 : memref<50x128xf32, #tpu.memory_space<vmem>>) offsets(%dma_start3A_59 : memref<50xi32, #tpu.memory_space<vmem>>) semaphore(%dma_start3A_64 : memref<!tpu.dma_semaphore, #tpu.memory_space<semaphore_mem>>)
    %dma_start3A_65 = arith.constant 3 : i32
    %dma_start3A_66 = arith.constant 0 : i32
    %dma_start3A_67 = arith.constant 3 : i32
    %dma_start3A_68 = arith.constant 0 : i32
    %dma_start3A_69 = arith.constant 0 : i32
    %dma_start3A_70 = arith.constant 0 : i32
    %dma_start3A_71 = arith.constant 0 : i32
    %dma_start3A_72 = tpu.memref_slice %arg6[%dma_start3A_66, %dma_start3A_69, %dma_start3A_70, %dma_start3A_71] : memref<3x4x50x128xf32, #tpu.memory_space<vmem>> -> memref<1x4x50x128xf32, #tpu.memory_space<vmem>>
    %dma_start3A_73 = tpu.memref_squeeze %dma_start3A_72 : memref<1x4x50x128xf32, #tpu.memory_space<vmem>> -> memref<4x50x128xf32, #tpu.memory_space<vmem>>
    %dma_start3A_74 = arith.constant 0 : i32
    %dma_start3A_75 = arith.constant 0 : i32
    %dma_start3A_76 = tpu.memref_slice %dma_start3A_73[%dma_start3A_67, %dma_start3A_74, %dma_start3A_75] : memref<4x50x128xf32, #tpu.memory_space<vmem>> -> memref<1x50x128xf32, #tpu.memory_space<vmem>>
    %dma_start3A_77 = tpu.memref_squeeze %dma_start3A_76 : memref<1x50x128xf32, #tpu.memory_space<vmem>> -> memref<50x128xf32, #tpu.memory_space<vmem>>
    %dma_start3A_78 = arith.constant 0 : i32
    %dma_start3A_79 = tpu.memref_slice %arg5[%dma_start3A_65, %dma_start3A_78] : memref<128x50xi32, #tpu.memory_space<vmem>> -> memref<1x50xi32, #tpu.memory_space<vmem>>
    %dma_start3A_80 = tpu.memref_squeeze %dma_start3A_79 : memref<1x50xi32, #tpu.memory_space<vmem>> -> memref<50xi32, #tpu.memory_space<vmem>>
    %dma_start3A_81 = arith.constant 0 : i32
    %dma_start3A_82 = arith.constant 0 : i32
    %dma_start3A_83 = tpu.memref_slice %arg2[%dma_start3A_81, %dma_start3A_82] : memref<100000x128xf32, #tpu.memory_space<hbm>> -> memref<100000x128xf32, #tpu.memory_space<hbm>>
    %dma_start3A_84 = tpu.memref_slice %arg7[%dma_start3A_68] : memref<3x!tpu.dma_semaphore, #tpu.memory_space<semaphore_mem>> -> memref<1x!tpu.dma_semaphore, #tpu.memory_space<semaphore_mem>>
    %dma_start3A_85 = tpu.memref_squeeze %dma_start3A_84 : memref<1x!tpu.dma_semaphore, #tpu.memory_space<semaphore_mem>> -> memref<!tpu.dma_semaphore, #tpu.memory_space<semaphore_mem>>
    tpu.enqueue_indirect_dma source(%dma_start3A_83 : memref<100000x128xf32, #tpu.memory_space<hbm>>) target(%dma_start3A_77 : memref<50x128xf32, #tpu.memory_space<vmem>>) offsets(%dma_start3A_80 : memref<50xi32, #tpu.memory_space<vmem>>) semaphore(%dma_start3A_85 : memref<!tpu.dma_semaphore, #tpu.memory_space<semaphore_mem>>)
    %dma_start3A_86 = arith.constant 4 : i32
    %dma_start3A_87 = arith.constant 1 : i32
    %dma_start3A_88 = arith.constant 0 : i32
    %dma_start3A_89 = arith.constant 1 : i32
    %dma_start3A_90 = arith.constant 0 : i32
    %dma_start3A_91 = arith.constant 0 : i32
    %dma_start3A_92 = arith.constant 0 : i32
    %dma_start3A_93 = tpu.memref_slice %arg6[%dma_start3A_87, %dma_start3A_90, %dma_start3A_91, %dma_start3A_92] : memref<3x4x50x128xf32, #tpu.memory_space<vmem>> -> memref<1x4x50x128xf32, #tpu.memory_space<vmem>>
    %dma_start3A_94 = tpu.memref_squeeze %dma_start3A_93 : memref<1x4x50x128xf32, #tpu.memory_space<vmem>> -> memref<4x50x128xf32, #tpu.memory_space<vmem>>
    %dma_start3A_95 = arith.constant 0 : i32
    %dma_start3A_96 = arith.constant 0 : i32
    %dma_start3A_97 = tpu.memref_slice %dma_start3A_94[%dma_start3A_88, %dma_start3A_95, %dma_start3A_96] : memref<4x50x128xf32, #tpu.memory_space<vmem>> -> memref<1x50x128xf32, #tpu.memory_space<vmem>>
    %dma_start3A_98 = tpu.memref_squeeze %dma_start3A_97 : memref<1x50x128xf32, #tpu.memory_space<vmem>> -> memref<50x128xf32, #tpu.memory_space<vmem>>
    %dma_start3A_99 = arith.constant 0 : i32
    %dma_start3A_100 = tpu.memref_slice %arg5[%dma_start3A_86, %dma_start3A_99] : memref<128x50xi32, #tpu.memory_space<vmem>> -> memref<1x50xi32, #tpu.memory_space<vmem>>
    %dma_start3A_101 = tpu.memref_squeeze %dma_start3A_100 : memref<1x50xi32, #tpu.memory_space<vmem>> -> memref<50xi32, #tpu.memory_space<vmem>>
    %dma_start3A_102 = arith.constant 0 : i32
    %dma_start3A_103 = arith.constant 0 : i32
    %dma_start3A_104 = tpu.memref_slice %arg2[%dma_start3A_102, %dma_start3A_103] : memref<100000x128xf32, #tpu.memory_space<hbm>> -> memref<100000x128xf32, #tpu.memory_space<hbm>>
    %dma_start3A_105 = tpu.memref_slice %arg7[%dma_start3A_89] : memref<3x!tpu.dma_semaphore, #tpu.memory_space<semaphore_mem>> -> memref<1x!tpu.dma_semaphore, #tpu.memory_space<semaphore_mem>>
    %dma_start3A_106 = tpu.memref_squeeze %dma_start3A_105 : memref<1x!tpu.dma_semaphore, #tpu.memory_space<semaphore_mem>> -> memref<!tpu.dma_semaphore, #tpu.memory_space<semaphore_mem>>
    tpu.enqueue_indirect_dma source(%dma_start3A_104 : memref<100000x128xf32, #tpu.memory_space<hbm>>) target(%dma_start3A_98 : memref<50x128xf32, #tpu.memory_space<vmem>>) offsets(%dma_start3A_101 : memref<50xi32, #tpu.memory_space<vmem>>) semaphore(%dma_start3A_106 : memref<!tpu.dma_semaphore, #tpu.memory_space<semaphore_mem>>)
    %dma_start3A_107 = arith.constant 5 : i32
    %dma_start3A_108 = arith.constant 1 : i32
    %dma_start3A_109 = arith.constant 1 : i32
    %dma_start3A_110 = arith.constant 1 : i32
    %dma_start3A_111 = arith.constant 0 : i32
    %dma_start3A_112 = arith.constant 0 : i32
    %dma_start3A_113 = arith.constant 0 : i32
    %dma_start3A_114 = tpu.memref_slice %arg6[%dma_start3A_108, %dma_start3A_111, %dma_start3A_112, %dma_start3A_113] : memref<3x4x50x128xf32, #tpu.memory_space<vmem>> -> memref<1x4x50x128xf32, #tpu.memory_space<vmem>>
    %dma_start3A_115 = tpu.memref_squeeze %dma_start3A_114 : memref<1x4x50x128xf32, #tpu.memory_space<vmem>> -> memref<4x50x128xf32, #tpu.memory_space<vmem>>
    %dma_start3A_116 = arith.constant 0 : i32
    %dma_start3A_117 = arith.constant 0 : i32
    %dma_start3A_118 = tpu.memref_slice %dma_start3A_115[%dma_start3A_109, %dma_start3A_116, %dma_start3A_117] : memref<4x50x128xf32, #tpu.memory_space<vmem>> -> memref<1x50x128xf32, #tpu.memory_space<vmem>>
    %dma_start3A_119 = tpu.memref_squeeze %dma_start3A_118 : memref<1x50x128xf32, #tpu.memory_space<vmem>> -> memref<50x128xf32, #tpu.memory_space<vmem>>
    %dma_start3A_120 = arith.constant 0 : i32
    %dma_start3A_121 = tpu.memref_slice %arg5[%dma_start3A_107, %dma_start3A_120] : memref<128x50xi32, #tpu.memory_space<vmem>> -> memref<1x50xi32, #tpu.memory_space<vmem>>
    %dma_start3A_122 = tpu.memref_squeeze %dma_start3A_121 : memref<1x50xi32, #tpu.memory_space<vmem>> -> memref<50xi32, #tpu.memory_space<vmem>>
    %dma_start3A_123 = arith.constant 0 : i32
    %dma_start3A_124 = arith.constant 0 : i32
    %dma_start3A_125 = tpu.memref_slice %arg2[%dma_start3A_123, %dma_start3A_124] : memref<100000x128xf32, #tpu.memory_space<hbm>> -> memref<100000x128xf32, #tpu.memory_space<hbm>>
    %dma_start3A_126 = tpu.memref_slice %arg7[%dma_start3A_110] : memref<3x!tpu.dma_semaphore, #tpu.memory_space<semaphore_mem>> -> memref<1x!tpu.dma_semaphore, #tpu.memory_space<semaphore_mem>>
    %dma_start3A_127 = tpu.memref_squeeze %dma_start3A_126 : memref<1x!tpu.dma_semaphore, #tpu.memory_space<semaphore_mem>> -> memref<!tpu.dma_semaphore, #tpu.memory_space<semaphore_mem>>
    tpu.enqueue_indirect_dma source(%dma_start3A_125 : memref<100000x128xf32, #tpu.memory_space<hbm>>) target(%dma_start3A_119 : memref<50x128xf32, #tpu.memory_space<vmem>>) offsets(%dma_start3A_122 : memref<50xi32, #tpu.memory_space<vmem>>) semaphore(%dma_start3A_127 : memref<!tpu.dma_semaphore, #tpu.memory_space<semaphore_mem>>)
    %dma_start3A_128 = arith.constant 6 : i32
    %dma_start3A_129 = arith.constant 1 : i32
    %dma_start3A_130 = arith.constant 2 : i32
    %dma_start3A_131 = arith.constant 1 : i32
    %dma_start3A_132 = arith.constant 0 : i32
    %dma_start3A_133 = arith.constant 0 : i32
    %dma_start3A_134 = arith.constant 0 : i32
    %dma_start3A_135 = tpu.memref_slice %arg6[%dma_start3A_129, %dma_start3A_132, %dma_start3A_133, %dma_start3A_134] : memref<3x4x50x128xf32, #tpu.memory_space<vmem>> -> memref<1x4x50x128xf32, #tpu.memory_space<vmem>>
    %dma_start3A_136 = tpu.memref_squeeze %dma_start3A_135 : memref<1x4x50x128xf32, #tpu.memory_space<vmem>> -> memref<4x50x128xf32, #tpu.memory_space<vmem>>
    %dma_start3A_137 = arith.constant 0 : i32
    %dma_start3A_138 = arith.constant 0 : i32
    %dma_start3A_139 = tpu.memref_slice %dma_start3A_136[%dma_start3A_130, %dma_start3A_137, %dma_start3A_138] : memref<4x50x128xf32, #tpu.memory_space<vmem>> -> memref<1x50x128xf32, #tpu.memory_space<vmem>>
    %dma_start3A_140 = tpu.memref_squeeze %dma_start3A_139 : memref<1x50x128xf32, #tpu.memory_space<vmem>> -> memref<50x128xf32, #tpu.memory_space<vmem>>
    %dma_start3A_141 = arith.constant 0 : i32
    %dma_start3A_142 = tpu.memref_slice %arg5[%dma_start3A_128, %dma_start3A_141] : memref<128x50xi32, #tpu.memory_space<vmem>> -> memref<1x50xi32, #tpu.memory_space<vmem>>
    %dma_start3A_143 = tpu.memref_squeeze %dma_start3A_142 : memref<1x50xi32, #tpu.memory_space<vmem>> -> memref<50xi32, #tpu.memory_space<vmem>>
    %dma_start3A_144 = arith.constant 0 : i32
    %dma_start3A_145 = arith.constant 0 : i32
    %dma_start3A_146 = tpu.memref_slice %arg2[%dma_start3A_144, %dma_start3A_145] : memref<100000x128xf32, #tpu.memory_space<hbm>> -> memref<100000x128xf32, #tpu.memory_space<hbm>>
    %dma_start3A_147 = tpu.memref_slice %arg7[%dma_start3A_131] : memref<3x!tpu.dma_semaphore, #tpu.memory_space<semaphore_mem>> -> memref<1x!tpu.dma_semaphore, #tpu.memory_space<semaphore_mem>>
    %dma_start3A_148 = tpu.memref_squeeze %dma_start3A_147 : memref<1x!tpu.dma_semaphore, #tpu.memory_space<semaphore_mem>> -> memref<!tpu.dma_semaphore, #tpu.memory_space<semaphore_mem>>
    tpu.enqueue_indirect_dma source(%dma_start3A_146 : memref<100000x128xf32, #tpu.memory_space<hbm>>) target(%dma_start3A_140 : memref<50x128xf32, #tpu.memory_space<vmem>>) offsets(%dma_start3A_143 : memref<50xi32, #tpu.memory_space<vmem>>) semaphore(%dma_start3A_148 : memref<!tpu.dma_semaphore, #tpu.memory_space<semaphore_mem>>)
    %dma_start3A_149 = arith.constant 7 : i32
    %dma_start3A_150 = arith.constant 1 : i32
    %dma_start3A_151 = arith.constant 3 : i32
    %dma_start3A_152 = arith.constant 1 : i32
    %dma_start3A_153 = arith.constant 0 : i32
    %dma_start3A_154 = arith.constant 0 : i32
    %dma_start3A_155 = arith.constant 0 : i32
    %dma_start3A_156 = tpu.memref_slice %arg6[%dma_start3A_150, %dma_start3A_153, %dma_start3A_154, %dma_start3A_155] : memref<3x4x50x128xf32, #tpu.memory_space<vmem>> -> memref<1x4x50x128xf32, #tpu.memory_space<vmem>>
    %dma_start3A_157 = tpu.memref_squeeze %dma_start3A_156 : memref<1x4x50x128xf32, #tpu.memory_space<vmem>> -> memref<4x50x128xf32, #tpu.memory_space<vmem>>
    %dma_start3A_158 = arith.constant 0 : i32
    %dma_start3A_159 = arith.constant 0 : i32
    %dma_start3A_160 = tpu.memref_slice %dma_start3A_157[%dma_start3A_151, %dma_start3A_158, %dma_start3A_159] : memref<4x50x128xf32, #tpu.memory_space<vmem>> -> memref<1x50x128xf32, #tpu.memory_space<vmem>>
    %dma_start3A_161 = tpu.memref_squeeze %dma_start3A_160 : memref<1x50x128xf32, #tpu.memory_space<vmem>> -> memref<50x128xf32, #tpu.memory_space<vmem>>
    %dma_start3A_162 = arith.constant 0 : i32
    %dma_start3A_163 = tpu.memref_slice %arg5[%dma_start3A_149, %dma_start3A_162] : memref<128x50xi32, #tpu.memory_space<vmem>> -> memref<1x50xi32, #tpu.memory_space<vmem>>
    %dma_start3A_164 = tpu.memref_squeeze %dma_start3A_163 : memref<1x50xi32, #tpu.memory_space<vmem>> -> memref<50xi32, #tpu.memory_space<vmem>>
    %dma_start3A_165 = arith.constant 0 : i32
    %dma_start3A_166 = arith.constant 0 : i32
    %dma_start3A_167 = tpu.memref_slice %arg2[%dma_start3A_165, %dma_start3A_166] : memref<100000x128xf32, #tpu.memory_space<hbm>> -> memref<100000x128xf32, #tpu.memory_space<hbm>>
    %dma_start3A_168 = tpu.memref_slice %arg7[%dma_start3A_152] : memref<3x!tpu.dma_semaphore, #tpu.memory_space<semaphore_mem>> -> memref<1x!tpu.dma_semaphore, #tpu.memory_space<semaphore_mem>>
    %dma_start3A_169 = tpu.memref_squeeze %dma_start3A_168 : memref<1x!tpu.dma_semaphore, #tpu.memory_space<semaphore_mem>> -> memref<!tpu.dma_semaphore, #tpu.memory_space<semaphore_mem>>
    tpu.enqueue_indirect_dma source(%dma_start3A_167 : memref<100000x128xf32, #tpu.memory_space<hbm>>) target(%dma_start3A_161 : memref<50x128xf32, #tpu.memory_space<vmem>>) offsets(%dma_start3A_164 : memref<50xi32, #tpu.memory_space<vmem>>) semaphore(%dma_start3A_169 : memref<!tpu.dma_semaphore, #tpu.memory_space<semaphore_mem>>)
    %scan3A = arith.constant 0 : i32
    %scan3A_170 = arith.constant 0 : i32
    %scan3A_171 = arith.constant 32 : i32
    %scan3A_172 = arith.addi %scan3A_170, %scan3A_171 : i32
    %scan3A_173 = arith.constant 1 : i32
    scf.for %scan3A_196 = %scan3A_170 to %scan3A_172 step %scan3A_173  : i32 {
      %jit3A = arith.constant 3 : i32
      %eq3A = arith.constant 0 : i32
      %eq3A_197 = arith.cmpi eq, %jit3A, %eq3A : i32
      %jit3A_198 = arith.constant 1 : i32
      %select_n3A = arith.select %eq3A_197, %jit3A_198, %jit3A : i32
      %rem3A = arith.remsi %scan3A_196, %select_n3A : i32
      %ne3A = arith.constant 0 : i32
      %ne3A_199 = arith.cmpi ne, %rem3A, %ne3A : i32
      %lt3A = arith.constant 0 : i32
      %lt3A_200 = arith.cmpi slt, %rem3A, %lt3A : i32
      %lt3A_201 = arith.constant 0 : i32
      %lt3A_202 = arith.cmpi slt, %select_n3A, %lt3A_201 : i32
      %ne3A_203 = arith.xori %lt3A_200, %lt3A_202 : i1
      %and3A = arith.andi %ne3A_203, %ne3A_199 : i1
      %add3A_204 = arith.addi %rem3A, %select_n3A : i32
      %select_n3A_205 = arith.select %and3A, %add3A_204, %rem3A : i32
      %add3A_206 = arith.constant 3 : i32
      %add3A_207 = arith.addi %scan3A_196, %add3A_206 : i32
      %sub3A = arith.constant 1 : i32
      %sub3A_208 = arith.subi %add3A_207, %sub3A : i32
      %jit3A_209 = arith.constant 3 : i32
      %eq3A_210 = arith.constant 0 : i32
      %eq3A_211 = arith.cmpi eq, %jit3A_209, %eq3A_210 : i32
      %jit3A_212 = arith.constant 1 : i32
      %select_n3A_213 = arith.select %eq3A_211, %jit3A_212, %jit3A_209 : i32
      %rem3A_214 = arith.remsi %sub3A_208, %select_n3A_213 : i32
      %ne3A_215 = arith.constant 0 : i32
      %ne3A_216 = arith.cmpi ne, %rem3A_214, %ne3A_215 : i32
      %lt3A_217 = arith.constant 0 : i32
      %lt3A_218 = arith.cmpi slt, %rem3A_214, %lt3A_217 : i32
      %lt3A_219 = arith.constant 0 : i32
      %lt3A_220 = arith.cmpi slt, %select_n3A_213, %lt3A_219 : i32
      %ne3A_221 = arith.xori %lt3A_218, %lt3A_220 : i1
      %and3A_222 = arith.andi %ne3A_221, %ne3A_216 : i1
      %add3A_223 = arith.addi %rem3A_214, %select_n3A_213 : i32
      %select_n3A_224 = arith.select %and3A_222, %add3A_223, %rem3A_214 : i32
      %ge3A = arith.constant 1 : i32
      %ge3A_225 = arith.cmpi sge, %scan3A_196, %ge3A : i32
      %convert_element_type3A = arith.extui %ge3A_225 : i1 to i32
      %cond3A = arith.constant 0 : i32
      %cond3A_226 = arith.cmpi ne, %convert_element_type3A, %cond3A : i32
      scf.if %cond3A_226 {
        %sub3A_345 = arith.constant 1 : i32
        %sub3A_346 = arith.subi %scan3A_196, %sub3A_345 : i32
        %mul3A_347 = arith.constant 4 : i32
        %mul3A_348 = arith.muli %sub3A_346, %mul3A_347 : i32
        %add3A_349 = arith.addi %mul3A_2, %mul3A_348 : i32
        %dma_wait3A_350 = arith.constant 0 : i32
        %dma_wait3A_351 = arith.constant 0 : i32
        %dma_wait3A_352 = arith.constant 0 : i32
        %dma_wait3A_353 = tpu.memref_slice %arg6[%select_n3A_224, %dma_wait3A_350, %dma_wait3A_351, %dma_wait3A_352] : memref<3x4x50x128xf32, #tpu.memory_space<vmem>> -> memref<1x4x50x128xf32, #tpu.memory_space<vmem>>
        %dma_wait3A_354 = tpu.memref_squeeze %dma_wait3A_353 : memref<1x4x50x128xf32, #tpu.memory_space<vmem>> -> memref<4x50x128xf32, #tpu.memory_space<vmem>>
        %dma_wait3A_355 = arith.constant 0 : i32
        %dma_wait3A_356 = arith.constant 0 : i32
        %dma_wait3A_357 = tpu.memref_slice %arg4[%add3A_349, %dma_wait3A_355, %dma_wait3A_356] : memref<4096x50x128xf32, #tpu.memory_space<hbm>> -> memref<4x50x128xf32, #tpu.memory_space<hbm>>
        %dma_wait3A_358 = tpu.memref_slice %arg8[%select_n3A_224] : memref<3x!tpu.dma_semaphore, #tpu.memory_space<semaphore_mem>> -> memref<1x!tpu.dma_semaphore, #tpu.memory_space<semaphore_mem>>
        %dma_wait3A_359 = tpu.memref_squeeze %dma_wait3A_358 : memref<1x!tpu.dma_semaphore, #tpu.memory_space<semaphore_mem>> -> memref<!tpu.dma_semaphore, #tpu.memory_space<semaphore_mem>>
        %dma_wait3A_360 = arith.constant 0 : i32
        %dma_wait3A_361 = arith.constant 0 : i32
        %dma_wait3A_362 = tpu.memref_slice %arg4[%add3A_349, %dma_wait3A_360, %dma_wait3A_361] : memref<4096x50x128xf32, #tpu.memory_space<hbm>> -> memref<4x50x128xf32, #tpu.memory_space<hbm>>
        %dma_wait3A_363 = arith.constant 0 : i32
        %dma_wait3A_364 = arith.constant 0 : i32
        %dma_wait3A_365 = arith.constant 0 : i32
        %dma_wait3A_366 = tpu.memref_slice %arg6[%select_n3A_224, %dma_wait3A_363, %dma_wait3A_364, %dma_wait3A_365] : memref<3x4x50x128xf32, #tpu.memory_space<vmem>> -> memref<1x4x50x128xf32, #tpu.memory_space<vmem>>
        %dma_wait3A_367 = tpu.memref_squeeze %dma_wait3A_366 : memref<1x4x50x128xf32, #tpu.memory_space<vmem>> -> memref<4x50x128xf32, #tpu.memory_space<vmem>>
        tpu.wait_dma2 semaphore(%dma_wait3A_359 : memref<!tpu.dma_semaphore, #tpu.memory_space<semaphore_mem>>) src(%dma_wait3A_367 : memref<4x50x128xf32, #tpu.memory_space<vmem>>) dst(%dma_wait3A_362 : memref<4x50x128xf32, #tpu.memory_space<hbm>>)
      } else {
      }
      %add3A_227 = arith.constant 3 : i32
      %add3A_228 = arith.addi %scan3A_196, %add3A_227 : i32
      %sub3A_229 = arith.constant 1 : i32
      %sub3A_230 = arith.subi %add3A_228, %sub3A_229 : i32
      %lt3A_231 = arith.constant 32 : i32
      %lt3A_232 = arith.cmpi slt, %sub3A_230, %lt3A_231 : i32
      %convert_element_type3A_233 = arith.extui %lt3A_232 : i1 to i32
      %cond3A_234 = arith.constant 0 : i32
      %cond3A_235 = arith.cmpi ne, %convert_element_type3A_233, %cond3A_234 : i32
      scf.if %cond3A_235 {
        %add3A_345 = arith.constant 3 : i32
        %add3A_346 = arith.addi %scan3A_196, %add3A_345 : i32
        %sub3A_347 = arith.constant 1 : i32
        %sub3A_348 = arith.subi %add3A_346, %sub3A_347 : i32
        %mul3A_349 = arith.constant 4 : i32
        %mul3A_350 = arith.muli %sub3A_348, %mul3A_349 : i32
        %add3A_351 = arith.constant 0 : i32
        %add3A_352 = arith.addi %mul3A_350, %add3A_351 : i32
        %dma_start3A_353 = arith.constant 0 : i32
        %dma_start3A_354 = arith.constant 0 : i32
        %dma_start3A_355 = arith.constant 0 : i32
        %dma_start3A_356 = arith.constant 0 : i32
        %dma_start3A_357 = tpu.memref_slice %arg6[%select_n3A_224, %dma_start3A_354, %dma_start3A_355, %dma_start3A_356] : memref<3x4x50x128xf32, #tpu.memory_space<vmem>> -> memref<1x4x50x128xf32, #tpu.memory_space<vmem>>
        %dma_start3A_358 = tpu.memref_squeeze %dma_start3A_357 : memref<1x4x50x128xf32, #tpu.memory_space<vmem>> -> memref<4x50x128xf32, #tpu.memory_space<vmem>>
        %dma_start3A_359 = arith.constant 0 : i32
        %dma_start3A_360 = arith.constant 0 : i32
        %dma_start3A_361 = tpu.memref_slice %dma_start3A_358[%dma_start3A_353, %dma_start3A_359, %dma_start3A_360] : memref<4x50x128xf32, #tpu.memory_space<vmem>> -> memref<1x50x128xf32, #tpu.memory_space<vmem>>
        %dma_start3A_362 = tpu.memref_squeeze %dma_start3A_361 : memref<1x50x128xf32, #tpu.memory_space<vmem>> -> memref<50x128xf32, #tpu.memory_space<vmem>>
        %dma_start3A_363 = arith.constant 0 : i32
        %dma_start3A_364 = tpu.memref_slice %arg5[%add3A_352, %dma_start3A_363] : memref<128x50xi32, #tpu.memory_space<vmem>> -> memref<1x50xi32, #tpu.memory_space<vmem>>
        %dma_start3A_365 = tpu.memref_squeeze %dma_start3A_364 : memref<1x50xi32, #tpu.memory_space<vmem>> -> memref<50xi32, #tpu.memory_space<vmem>>
        %dma_start3A_366 = arith.constant 0 : i32
        %dma_start3A_367 = arith.constant 0 : i32
        %dma_start3A_368 = tpu.memref_slice %arg2[%dma_start3A_366, %dma_start3A_367] : memref<100000x128xf32, #tpu.memory_space<hbm>> -> memref<100000x128xf32, #tpu.memory_space<hbm>>
        %dma_start3A_369 = tpu.memref_slice %arg7[%select_n3A_224] : memref<3x!tpu.dma_semaphore, #tpu.memory_space<semaphore_mem>> -> memref<1x!tpu.dma_semaphore, #tpu.memory_space<semaphore_mem>>
        %dma_start3A_370 = tpu.memref_squeeze %dma_start3A_369 : memref<1x!tpu.dma_semaphore, #tpu.memory_space<semaphore_mem>> -> memref<!tpu.dma_semaphore, #tpu.memory_space<semaphore_mem>>
        tpu.enqueue_indirect_dma source(%dma_start3A_368 : memref<100000x128xf32, #tpu.memory_space<hbm>>) target(%dma_start3A_362 : memref<50x128xf32, #tpu.memory_space<vmem>>) offsets(%dma_start3A_365 : memref<50xi32, #tpu.memory_space<vmem>>) semaphore(%dma_start3A_370 : memref<!tpu.dma_semaphore, #tpu.memory_space<semaphore_mem>>)
        %mul3A_371 = arith.constant 4 : i32
        %mul3A_372 = arith.muli %sub3A_348, %mul3A_371 : i32
        %add3A_373 = arith.constant 1 : i32
        %add3A_374 = arith.addi %mul3A_372, %add3A_373 : i32
        %dma_start3A_375 = arith.constant 1 : i32
        %dma_start3A_376 = arith.constant 0 : i32
        %dma_start3A_377 = arith.constant 0 : i32
        %dma_start3A_378 = arith.constant 0 : i32
        %dma_start3A_379 = tpu.memref_slice %arg6[%select_n3A_224, %dma_start3A_376, %dma_start3A_377, %dma_start3A_378] : memref<3x4x50x128xf32, #tpu.memory_space<vmem>> -> memref<1x4x50x128xf32, #tpu.memory_space<vmem>>
        %dma_start3A_380 = tpu.memref_squeeze %dma_start3A_379 : memref<1x4x50x128xf32, #tpu.memory_space<vmem>> -> memref<4x50x128xf32, #tpu.memory_space<vmem>>
        %dma_start3A_381 = arith.constant 0 : i32
        %dma_start3A_382 = arith.constant 0 : i32
        %dma_start3A_383 = tpu.memref_slice %dma_start3A_380[%dma_start3A_375, %dma_start3A_381, %dma_start3A_382] : memref<4x50x128xf32, #tpu.memory_space<vmem>> -> memref<1x50x128xf32, #tpu.memory_space<vmem>>
        %dma_start3A_384 = tpu.memref_squeeze %dma_start3A_383 : memref<1x50x128xf32, #tpu.memory_space<vmem>> -> memref<50x128xf32, #tpu.memory_space<vmem>>
        %dma_start3A_385 = arith.constant 0 : i32
        %dma_start3A_386 = tpu.memref_slice %arg5[%add3A_374, %dma_start3A_385] : memref<128x50xi32, #tpu.memory_space<vmem>> -> memref<1x50xi32, #tpu.memory_space<vmem>>
        %dma_start3A_387 = tpu.memref_squeeze %dma_start3A_386 : memref<1x50xi32, #tpu.memory_space<vmem>> -> memref<50xi32, #tpu.memory_space<vmem>>
        %dma_start3A_388 = arith.constant 0 : i32
        %dma_start3A_389 = arith.constant 0 : i32
        %dma_start3A_390 = tpu.memref_slice %arg2[%dma_start3A_388, %dma_start3A_389] : memref<100000x128xf32, #tpu.memory_space<hbm>> -> memref<100000x128xf32, #tpu.memory_space<hbm>>
        %dma_start3A_391 = tpu.memref_slice %arg7[%select_n3A_224] : memref<3x!tpu.dma_semaphore, #tpu.memory_space<semaphore_mem>> -> memref<1x!tpu.dma_semaphore, #tpu.memory_space<semaphore_mem>>
        %dma_start3A_392 = tpu.memref_squeeze %dma_start3A_391 : memref<1x!tpu.dma_semaphore, #tpu.memory_space<semaphore_mem>> -> memref<!tpu.dma_semaphore, #tpu.memory_space<semaphore_mem>>
        tpu.enqueue_indirect_dma source(%dma_start3A_390 : memref<100000x128xf32, #tpu.memory_space<hbm>>) target(%dma_start3A_384 : memref<50x128xf32, #tpu.memory_space<vmem>>) offsets(%dma_start3A_387 : memref<50xi32, #tpu.memory_space<vmem>>) semaphore(%dma_start3A_392 : memref<!tpu.dma_semaphore, #tpu.memory_space<semaphore_mem>>)
        %mul3A_393 = arith.constant 4 : i32
        %mul3A_394 = arith.muli %sub3A_348, %mul3A_393 : i32
        %add3A_395 = arith.constant 2 : i32
        %add3A_396 = arith.addi %mul3A_394, %add3A_395 : i32
        %dma_start3A_397 = arith.constant 2 : i32
        %dma_start3A_398 = arith.constant 0 : i32
        %dma_start3A_399 = arith.constant 0 : i32
        %dma_start3A_400 = arith.constant 0 : i32
        %dma_start3A_401 = tpu.memref_slice %arg6[%select_n3A_224, %dma_start3A_398, %dma_start3A_399, %dma_start3A_400] : memref<3x4x50x128xf32, #tpu.memory_space<vmem>> -> memref<1x4x50x128xf32, #tpu.memory_space<vmem>>
        %dma_start3A_402 = tpu.memref_squeeze %dma_start3A_401 : memref<1x4x50x128xf32, #tpu.memory_space<vmem>> -> memref<4x50x128xf32, #tpu.memory_space<vmem>>
        %dma_start3A_403 = arith.constant 0 : i32
        %dma_start3A_404 = arith.constant 0 : i32
        %dma_start3A_405 = tpu.memref_slice %dma_start3A_402[%dma_start3A_397, %dma_start3A_403, %dma_start3A_404] : memref<4x50x128xf32, #tpu.memory_space<vmem>> -> memref<1x50x128xf32, #tpu.memory_space<vmem>>
        %dma_start3A_406 = tpu.memref_squeeze %dma_start3A_405 : memref<1x50x128xf32, #tpu.memory_space<vmem>> -> memref<50x128xf32, #tpu.memory_space<vmem>>
        %dma_start3A_407 = arith.constant 0 : i32
        %dma_start3A_408 = tpu.memref_slice %arg5[%add3A_396, %dma_start3A_407] : memref<128x50xi32, #tpu.memory_space<vmem>> -> memref<1x50xi32, #tpu.memory_space<vmem>>
        %dma_start3A_409 = tpu.memref_squeeze %dma_start3A_408 : memref<1x50xi32, #tpu.memory_space<vmem>> -> memref<50xi32, #tpu.memory_space<vmem>>
        %dma_start3A_410 = arith.constant 0 : i32
        %dma_start3A_411 = arith.constant 0 : i32
        %dma_start3A_412 = tpu.memref_slice %arg2[%dma_start3A_410, %dma_start3A_411] : memref<100000x128xf32, #tpu.memory_space<hbm>> -> memref<100000x128xf32, #tpu.memory_space<hbm>>
        %dma_start3A_413 = tpu.memref_slice %arg7[%select_n3A_224] : memref<3x!tpu.dma_semaphore, #tpu.memory_space<semaphore_mem>> -> memref<1x!tpu.dma_semaphore, #tpu.memory_space<semaphore_mem>>
        %dma_start3A_414 = tpu.memref_squeeze %dma_start3A_413 : memref<1x!tpu.dma_semaphore, #tpu.memory_space<semaphore_mem>> -> memref<!tpu.dma_semaphore, #tpu.memory_space<semaphore_mem>>
        tpu.enqueue_indirect_dma source(%dma_start3A_412 : memref<100000x128xf32, #tpu.memory_space<hbm>>) target(%dma_start3A_406 : memref<50x128xf32, #tpu.memory_space<vmem>>) offsets(%dma_start3A_409 : memref<50xi32, #tpu.memory_space<vmem>>) semaphore(%dma_start3A_414 : memref<!tpu.dma_semaphore, #tpu.memory_space<semaphore_mem>>)
        %mul3A_415 = arith.constant 4 : i32
        %mul3A_416 = arith.muli %sub3A_348, %mul3A_415 : i32
        %add3A_417 = arith.constant 3 : i32
        %add3A_418 = arith.addi %mul3A_416, %add3A_417 : i32
        %dma_start3A_419 = arith.constant 3 : i32
        %dma_start3A_420 = arith.constant 0 : i32
        %dma_start3A_421 = arith.constant 0 : i32
        %dma_start3A_422 = arith.constant 0 : i32
        %dma_start3A_423 = tpu.memref_slice %arg6[%select_n3A_224, %dma_start3A_420, %dma_start3A_421, %dma_start3A_422] : memref<3x4x50x128xf32, #tpu.memory_space<vmem>> -> memref<1x4x50x128xf32, #tpu.memory_space<vmem>>
        %dma_start3A_424 = tpu.memref_squeeze %dma_start3A_423 : memref<1x4x50x128xf32, #tpu.memory_space<vmem>> -> memref<4x50x128xf32, #tpu.memory_space<vmem>>
        %dma_start3A_425 = arith.constant 0 : i32
        %dma_start3A_426 = arith.constant 0 : i32
        %dma_start3A_427 = tpu.memref_slice %dma_start3A_424[%dma_start3A_419, %dma_start3A_425, %dma_start3A_426] : memref<4x50x128xf32, #tpu.memory_space<vmem>> -> memref<1x50x128xf32, #tpu.memory_space<vmem>>
        %dma_start3A_428 = tpu.memref_squeeze %dma_start3A_427 : memref<1x50x128xf32, #tpu.memory_space<vmem>> -> memref<50x128xf32, #tpu.memory_space<vmem>>
        %dma_start3A_429 = arith.constant 0 : i32
        %dma_start3A_430 = tpu.memref_slice %arg5[%add3A_418, %dma_start3A_429] : memref<128x50xi32, #tpu.memory_space<vmem>> -> memref<1x50xi32, #tpu.memory_space<vmem>>
        %dma_start3A_431 = tpu.memref_squeeze %dma_start3A_430 : memref<1x50xi32, #tpu.memory_space<vmem>> -> memref<50xi32, #tpu.memory_space<vmem>>
        %dma_start3A_432 = arith.constant 0 : i32
        %dma_start3A_433 = arith.constant 0 : i32
        %dma_start3A_434 = tpu.memref_slice %arg2[%dma_start3A_432, %dma_start3A_433] : memref<100000x128xf32, #tpu.memory_space<hbm>> -> memref<100000x128xf32, #tpu.memory_space<hbm>>
        %dma_start3A_435 = tpu.memref_slice %arg7[%select_n3A_224] : memref<3x!tpu.dma_semaphore, #tpu.memory_space<semaphore_mem>> -> memref<1x!tpu.dma_semaphore, #tpu.memory_space<semaphore_mem>>
        %dma_start3A_436 = tpu.memref_squeeze %dma_start3A_435 : memref<1x!tpu.dma_semaphore, #tpu.memory_space<semaphore_mem>> -> memref<!tpu.dma_semaphore, #tpu.memory_space<semaphore_mem>>
        tpu.enqueue_indirect_dma source(%dma_start3A_434 : memref<100000x128xf32, #tpu.memory_space<hbm>>) target(%dma_start3A_428 : memref<50x128xf32, #tpu.memory_space<vmem>>) offsets(%dma_start3A_431 : memref<50xi32, #tpu.memory_space<vmem>>) semaphore(%dma_start3A_436 : memref<!tpu.dma_semaphore, #tpu.memory_space<semaphore_mem>>)
      } else {
      }
      %mul3A_236 = arith.constant 4 : i32
      %mul3A_237 = arith.muli %scan3A_196, %mul3A_236 : i32
      %add3A_238 = arith.constant 0 : i32
      %add3A_239 = arith.addi %mul3A_237, %add3A_238 : i32
      %dma_wait3A_240 = arith.constant 0 : i32
      %dma_wait3A_241 = arith.constant 0 : i32
      %dma_wait3A_242 = arith.constant 0 : i32
      %dma_wait3A_243 = arith.constant 0 : i32
      %dma_wait3A_244 = tpu.memref_slice %arg6[%select_n3A_205, %dma_wait3A_241, %dma_wait3A_242, %dma_wait3A_243] : memref<3x4x50x128xf32, #tpu.memory_space<vmem>> -> memref<1x4x50x128xf32, #tpu.memory_space<vmem>>
      %dma_wait3A_245 = tpu.memref_squeeze %dma_wait3A_244 : memref<1x4x50x128xf32, #tpu.memory_space<vmem>> -> memref<4x50x128xf32, #tpu.memory_space<vmem>>
      %dma_wait3A_246 = arith.constant 0 : i32
      %dma_wait3A_247 = arith.constant 0 : i32
      %dma_wait3A_248 = tpu.memref_slice %dma_wait3A_245[%dma_wait3A_240, %dma_wait3A_246, %dma_wait3A_247] : memref<4x50x128xf32, #tpu.memory_space<vmem>> -> memref<1x50x128xf32, #tpu.memory_space<vmem>>
      %dma_wait3A_249 = tpu.memref_squeeze %dma_wait3A_248 : memref<1x50x128xf32, #tpu.memory_space<vmem>> -> memref<50x128xf32, #tpu.memory_space<vmem>>
      %dma_wait3A_250 = arith.constant 0 : i32
      %dma_wait3A_251 = tpu.memref_slice %arg5[%add3A_239, %dma_wait3A_250] : memref<128x50xi32, #tpu.memory_space<vmem>> -> memref<1x50xi32, #tpu.memory_space<vmem>>
      %dma_wait3A_252 = tpu.memref_squeeze %dma_wait3A_251 : memref<1x50xi32, #tpu.memory_space<vmem>> -> memref<50xi32, #tpu.memory_space<vmem>>
      %dma_wait3A_253 = arith.constant 0 : i32
      %dma_wait3A_254 = arith.constant 0 : i32
      %dma_wait3A_255 = tpu.memref_slice %arg2[%dma_wait3A_253, %dma_wait3A_254] : memref<100000x128xf32, #tpu.memory_space<hbm>> -> memref<100000x128xf32, #tpu.memory_space<hbm>>
      %dma_wait3A_256 = tpu.memref_slice %arg7[%select_n3A_205] : memref<3x!tpu.dma_semaphore, #tpu.memory_space<semaphore_mem>> -> memref<1x!tpu.dma_semaphore, #tpu.memory_space<semaphore_mem>>
      %dma_wait3A_257 = tpu.memref_squeeze %dma_wait3A_256 : memref<1x!tpu.dma_semaphore, #tpu.memory_space<semaphore_mem>> -> memref<!tpu.dma_semaphore, #tpu.memory_space<semaphore_mem>>
      tpu.wait_indirect_dma semaphore(%dma_wait3A_257 : memref<!tpu.dma_semaphore, #tpu.memory_space<semaphore_mem>>) src(%dma_wait3A_255 : memref<100000x128xf32, #tpu.memory_space<hbm>>) dst(%dma_wait3A_249 : memref<50x128xf32, #tpu.memory_space<vmem>>)
      %mul3A_258 = arith.constant 4 : i32
      %mul3A_259 = arith.muli %scan3A_196, %mul3A_258 : i32
      %add3A_260 = arith.constant 1 : i32
      %add3A_261 = arith.addi %mul3A_259, %add3A_260 : i32
      %dma_wait3A_262 = arith.constant 1 : i32
      %dma_wait3A_263 = arith.constant 0 : i32
      %dma_wait3A_264 = arith.constant 0 : i32
      %dma_wait3A_265 = arith.constant 0 : i32
      %dma_wait3A_266 = tpu.memref_slice %arg6[%select_n3A_205, %dma_wait3A_263, %dma_wait3A_264, %dma_wait3A_265] : memref<3x4x50x128xf32, #tpu.memory_space<vmem>> -> memref<1x4x50x128xf32, #tpu.memory_space<vmem>>
      %dma_wait3A_267 = tpu.memref_squeeze %dma_wait3A_266 : memref<1x4x50x128xf32, #tpu.memory_space<vmem>> -> memref<4x50x128xf32, #tpu.memory_space<vmem>>
      %dma_wait3A_268 = arith.constant 0 : i32
      %dma_wait3A_269 = arith.constant 0 : i32
      %dma_wait3A_270 = tpu.memref_slice %dma_wait3A_267[%dma_wait3A_262, %dma_wait3A_268, %dma_wait3A_269] : memref<4x50x128xf32, #tpu.memory_space<vmem>> -> memref<1x50x128xf32, #tpu.memory_space<vmem>>
      %dma_wait3A_271 = tpu.memref_squeeze %dma_wait3A_270 : memref<1x50x128xf32, #tpu.memory_space<vmem>> -> memref<50x128xf32, #tpu.memory_space<vmem>>
      %dma_wait3A_272 = arith.constant 0 : i32
      %dma_wait3A_273 = tpu.memref_slice %arg5[%add3A_261, %dma_wait3A_272] : memref<128x50xi32, #tpu.memory_space<vmem>> -> memref<1x50xi32, #tpu.memory_space<vmem>>
      %dma_wait3A_274 = tpu.memref_squeeze %dma_wait3A_273 : memref<1x50xi32, #tpu.memory_space<vmem>> -> memref<50xi32, #tpu.memory_space<vmem>>
      %dma_wait3A_275 = arith.constant 0 : i32
      %dma_wait3A_276 = arith.constant 0 : i32
      %dma_wait3A_277 = tpu.memref_slice %arg2[%dma_wait3A_275, %dma_wait3A_276] : memref<100000x128xf32, #tpu.memory_space<hbm>> -> memref<100000x128xf32, #tpu.memory_space<hbm>>
      %dma_wait3A_278 = tpu.memref_slice %arg7[%select_n3A_205] : memref<3x!tpu.dma_semaphore, #tpu.memory_space<semaphore_mem>> -> memref<1x!tpu.dma_semaphore, #tpu.memory_space<semaphore_mem>>
      %dma_wait3A_279 = tpu.memref_squeeze %dma_wait3A_278 : memref<1x!tpu.dma_semaphore, #tpu.memory_space<semaphore_mem>> -> memref<!tpu.dma_semaphore, #tpu.memory_space<semaphore_mem>>
      tpu.wait_indirect_dma semaphore(%dma_wait3A_279 : memref<!tpu.dma_semaphore, #tpu.memory_space<semaphore_mem>>) src(%dma_wait3A_277 : memref<100000x128xf32, #tpu.memory_space<hbm>>) dst(%dma_wait3A_271 : memref<50x128xf32, #tpu.memory_space<vmem>>)
      %mul3A_280 = arith.constant 4 : i32
      %mul3A_281 = arith.muli %scan3A_196, %mul3A_280 : i32
      %add3A_282 = arith.constant 2 : i32
      %add3A_283 = arith.addi %mul3A_281, %add3A_282 : i32
      %dma_wait3A_284 = arith.constant 2 : i32
      %dma_wait3A_285 = arith.constant 0 : i32
      %dma_wait3A_286 = arith.constant 0 : i32
      %dma_wait3A_287 = arith.constant 0 : i32
      %dma_wait3A_288 = tpu.memref_slice %arg6[%select_n3A_205, %dma_wait3A_285, %dma_wait3A_286, %dma_wait3A_287] : memref<3x4x50x128xf32, #tpu.memory_space<vmem>> -> memref<1x4x50x128xf32, #tpu.memory_space<vmem>>
      %dma_wait3A_289 = tpu.memref_squeeze %dma_wait3A_288 : memref<1x4x50x128xf32, #tpu.memory_space<vmem>> -> memref<4x50x128xf32, #tpu.memory_space<vmem>>
      %dma_wait3A_290 = arith.constant 0 : i32
      %dma_wait3A_291 = arith.constant 0 : i32
      %dma_wait3A_292 = tpu.memref_slice %dma_wait3A_289[%dma_wait3A_284, %dma_wait3A_290, %dma_wait3A_291] : memref<4x50x128xf32, #tpu.memory_space<vmem>> -> memref<1x50x128xf32, #tpu.memory_space<vmem>>
      %dma_wait3A_293 = tpu.memref_squeeze %dma_wait3A_292 : memref<1x50x128xf32, #tpu.memory_space<vmem>> -> memref<50x128xf32, #tpu.memory_space<vmem>>
      %dma_wait3A_294 = arith.constant 0 : i32
      %dma_wait3A_295 = tpu.memref_slice %arg5[%add3A_283, %dma_wait3A_294] : memref<128x50xi32, #tpu.memory_space<vmem>> -> memref<1x50xi32, #tpu.memory_space<vmem>>
      %dma_wait3A_296 = tpu.memref_squeeze %dma_wait3A_295 : memref<1x50xi32, #tpu.memory_space<vmem>> -> memref<50xi32, #tpu.memory_space<vmem>>
      %dma_wait3A_297 = arith.constant 0 : i32
      %dma_wait3A_298 = arith.constant 0 : i32
      %dma_wait3A_299 = tpu.memref_slice %arg2[%dma_wait3A_297, %dma_wait3A_298] : memref<100000x128xf32, #tpu.memory_space<hbm>> -> memref<100000x128xf32, #tpu.memory_space<hbm>>
      %dma_wait3A_300 = tpu.memref_slice %arg7[%select_n3A_205] : memref<3x!tpu.dma_semaphore, #tpu.memory_space<semaphore_mem>> -> memref<1x!tpu.dma_semaphore, #tpu.memory_space<semaphore_mem>>
      %dma_wait3A_301 = tpu.memref_squeeze %dma_wait3A_300 : memref<1x!tpu.dma_semaphore, #tpu.memory_space<semaphore_mem>> -> memref<!tpu.dma_semaphore, #tpu.memory_space<semaphore_mem>>
      tpu.wait_indirect_dma semaphore(%dma_wait3A_301 : memref<!tpu.dma_semaphore, #tpu.memory_space<semaphore_mem>>) src(%dma_wait3A_299 : memref<100000x128xf32, #tpu.memory_space<hbm>>) dst(%dma_wait3A_293 : memref<50x128xf32, #tpu.memory_space<vmem>>)
      %mul3A_302 = arith.constant 4 : i32
      %mul3A_303 = arith.muli %scan3A_196, %mul3A_302 : i32
      %add3A_304 = arith.constant 3 : i32
      %add3A_305 = arith.addi %mul3A_303, %add3A_304 : i32
      %dma_wait3A_306 = arith.constant 3 : i32
      %dma_wait3A_307 = arith.constant 0 : i32
      %dma_wait3A_308 = arith.constant 0 : i32
      %dma_wait3A_309 = arith.constant 0 : i32
      %dma_wait3A_310 = tpu.memref_slice %arg6[%select_n3A_205, %dma_wait3A_307, %dma_wait3A_308, %dma_wait3A_309] : memref<3x4x50x128xf32, #tpu.memory_space<vmem>> -> memref<1x4x50x128xf32, #tpu.memory_space<vmem>>
      %dma_wait3A_311 = tpu.memref_squeeze %dma_wait3A_310 : memref<1x4x50x128xf32, #tpu.memory_space<vmem>> -> memref<4x50x128xf32, #tpu.memory_space<vmem>>
      %dma_wait3A_312 = arith.constant 0 : i32
      %dma_wait3A_313 = arith.constant 0 : i32
      %dma_wait3A_314 = tpu.memref_slice %dma_wait3A_311[%dma_wait3A_306, %dma_wait3A_312, %dma_wait3A_313] : memref<4x50x128xf32, #tpu.memory_space<vmem>> -> memref<1x50x128xf32, #tpu.memory_space<vmem>>
      %dma_wait3A_315 = tpu.memref_squeeze %dma_wait3A_314 : memref<1x50x128xf32, #tpu.memory_space<vmem>> -> memref<50x128xf32, #tpu.memory_space<vmem>>
      %dma_wait3A_316 = arith.constant 0 : i32
      %dma_wait3A_317 = tpu.memref_slice %arg5[%add3A_305, %dma_wait3A_316] : memref<128x50xi32, #tpu.memory_space<vmem>> -> memref<1x50xi32, #tpu.memory_space<vmem>>
      %dma_wait3A_318 = tpu.memref_squeeze %dma_wait3A_317 : memref<1x50xi32, #tpu.memory_space<vmem>> -> memref<50xi32, #tpu.memory_space<vmem>>
      %dma_wait3A_319 = arith.constant 0 : i32
      %dma_wait3A_320 = arith.constant 0 : i32
      %dma_wait3A_321 = tpu.memref_slice %arg2[%dma_wait3A_319, %dma_wait3A_320] : memref<100000x128xf32, #tpu.memory_space<hbm>> -> memref<100000x128xf32, #tpu.memory_space<hbm>>
      %dma_wait3A_322 = tpu.memref_slice %arg7[%select_n3A_205] : memref<3x!tpu.dma_semaphore, #tpu.memory_space<semaphore_mem>> -> memref<1x!tpu.dma_semaphore, #tpu.memory_space<semaphore_mem>>
      %dma_wait3A_323 = tpu.memref_squeeze %dma_wait3A_322 : memref<1x!tpu.dma_semaphore, #tpu.memory_space<semaphore_mem>> -> memref<!tpu.dma_semaphore, #tpu.memory_space<semaphore_mem>>
      tpu.wait_indirect_dma semaphore(%dma_wait3A_323 : memref<!tpu.dma_semaphore, #tpu.memory_space<semaphore_mem>>) src(%dma_wait3A_321 : memref<100000x128xf32, #tpu.memory_space<hbm>>) dst(%dma_wait3A_315 : memref<50x128xf32, #tpu.memory_space<vmem>>)
      %mul3A_324 = arith.constant 4 : i32
      %mul3A_325 = arith.muli %scan3A_196, %mul3A_324 : i32
      %add3A_326 = arith.addi %mul3A_2, %mul3A_325 : i32
      %dma_start3A_327 = arith.constant 0 : i32
      %dma_start3A_328 = arith.constant 0 : i32
      %dma_start3A_329 = arith.constant 0 : i32
      %dma_start3A_330 = tpu.memref_slice %arg6[%select_n3A_205, %dma_start3A_327, %dma_start3A_328, %dma_start3A_329] : memref<3x4x50x128xf32, #tpu.memory_space<vmem>> -> memref<1x4x50x128xf32, #tpu.memory_space<vmem>>
      %dma_start3A_331 = tpu.memref_squeeze %dma_start3A_330 : memref<1x4x50x128xf32, #tpu.memory_space<vmem>> -> memref<4x50x128xf32, #tpu.memory_space<vmem>>
      %dma_start3A_332 = arith.constant 0 : i32
      %dma_start3A_333 = arith.constant 0 : i32
      %dma_start3A_334 = tpu.memref_slice %arg4[%add3A_326, %dma_start3A_332, %dma_start3A_333] : memref<4096x50x128xf32, #tpu.memory_space<hbm>> -> memref<4x50x128xf32, #tpu.memory_space<hbm>>
      %dma_start3A_335 = tpu.memref_slice %arg8[%select_n3A_205] : memref<3x!tpu.dma_semaphore, #tpu.memory_space<semaphore_mem>> -> memref<1x!tpu.dma_semaphore, #tpu.memory_space<semaphore_mem>>
      %dma_start3A_336 = tpu.memref_squeeze %dma_start3A_335 : memref<1x!tpu.dma_semaphore, #tpu.memory_space<semaphore_mem>> -> memref<!tpu.dma_semaphore, #tpu.memory_space<semaphore_mem>>
      %dma_start3A_337 = arith.constant 0 : i32
      %dma_start3A_338 = arith.constant 0 : i32
      %dma_start3A_339 = tpu.memref_slice %arg4[%add3A_326, %dma_start3A_337, %dma_start3A_338] : memref<4096x50x128xf32, #tpu.memory_space<hbm>> -> memref<4x50x128xf32, #tpu.memory_space<hbm>>
      %dma_start3A_340 = arith.constant 0 : i32
      %dma_start3A_341 = arith.constant 0 : i32
      %dma_start3A_342 = arith.constant 0 : i32
      %dma_start3A_343 = tpu.memref_slice %arg6[%select_n3A_205, %dma_start3A_340, %dma_start3A_341, %dma_start3A_342] : memref<3x4x50x128xf32, #tpu.memory_space<vmem>> -> memref<1x4x50x128xf32, #tpu.memory_space<vmem>>
      %dma_start3A_344 = tpu.memref_squeeze %dma_start3A_343 : memref<1x4x50x128xf32, #tpu.memory_space<vmem>> -> memref<4x50x128xf32, #tpu.memory_space<vmem>>
      tpu.enqueue_dma source(%dma_start3A_344 : memref<4x50x128xf32, #tpu.memory_space<vmem>>) target(%dma_start3A_339 : memref<4x50x128xf32, #tpu.memory_space<hbm>>) target_semaphore(%dma_start3A_336 : memref<!tpu.dma_semaphore, #tpu.memory_space<semaphore_mem>>)
    }
    %scan3A_174 = arith.constant 32 : i32
    %add3A_175 = arith.constant 124 : i32
    %add3A_176 = arith.addi %mul3A_2, %add3A_175 : i32
    %dma_wait3A = arith.constant 1 : i32
    %dma_wait3A_177 = arith.constant 1 : i32
    %dma_wait3A_178 = arith.constant 0 : i32
    %dma_wait3A_179 = arith.constant 0 : i32
    %dma_wait3A_180 = arith.constant 0 : i32
    %dma_wait3A_181 = tpu.memref_slice %arg6[%dma_wait3A, %dma_wait3A_178, %dma_wait3A_179, %dma_wait3A_180] : memref<3x4x50x128xf32, #tpu.memory_space<vmem>> -> memref<1x4x50x128xf32, #tpu.memory_space<vmem>>
    %dma_wait3A_182 = tpu.memref_squeeze %dma_wait3A_181 : memref<1x4x50x128xf32, #tpu.memory_space<vmem>> -> memref<4x50x128xf32, #tpu.memory_space<vmem>>
    %dma_wait3A_183 = arith.constant 0 : i32
    %dma_wait3A_184 = arith.constant 0 : i32
    %dma_wait3A_185 = tpu.memref_slice %arg4[%add3A_176, %dma_wait3A_183, %dma_wait3A_184] : memref<4096x50x128xf32, #tpu.memory_space<hbm>> -> memref<4x50x128xf32, #tpu.memory_space<hbm>>
    %dma_wait3A_186 = tpu.memref_slice %arg8[%dma_wait3A_177] : memref<3x!tpu.dma_semaphore, #tpu.memory_space<semaphore_mem>> -> memref<1x!tpu.dma_semaphore, #tpu.memory_space<semaphore_mem>>
    %dma_wait3A_187 = tpu.memref_squeeze %dma_wait3A_186 : memref<1x!tpu.dma_semaphore, #tpu.memory_space<semaphore_mem>> -> memref<!tpu.dma_semaphore, #tpu.memory_space<semaphore_mem>>
    %dma_wait3A_188 = arith.constant 0 : i32
    %dma_wait3A_189 = arith.constant 0 : i32
    %dma_wait3A_190 = tpu.memref_slice %arg4[%add3A_176, %dma_wait3A_188, %dma_wait3A_189] : memref<4096x50x128xf32, #tpu.memory_space<hbm>> -> memref<4x50x128xf32, #tpu.memory_space<hbm>>
    %dma_wait3A_191 = arith.constant 0 : i32
    %dma_wait3A_192 = arith.constant 0 : i32
    %dma_wait3A_193 = arith.constant 0 : i32
    %dma_wait3A_194 = tpu.memref_slice %arg6[%dma_wait3A, %dma_wait3A_191, %dma_wait3A_192, %dma_wait3A_193] : memref<3x4x50x128xf32, #tpu.memory_space<vmem>> -> memref<1x4x50x128xf32, #tpu.memory_space<vmem>>
    %dma_wait3A_195 = tpu.memref_squeeze %dma_wait3A_194 : memref<1x4x50x128xf32, #tpu.memory_space<vmem>> -> memref<4x50x128xf32, #tpu.memory_space<vmem>>
    tpu.wait_dma2 semaphore(%dma_wait3A_187 : memref<!tpu.dma_semaphore, #tpu.memory_space<semaphore_mem>>) src(%dma_wait3A_195 : memref<4x50x128xf32, #tpu.memory_space<vmem>>) dst(%dma_wait3A_190 : memref<4x50x128xf32, #tpu.memory_space<hbm>>)
    return
  }
}

</mosaic_0001>

<sc_bundles>
// kernel: kernel.3.cloned.1.call-start
scs
__scs_entry_jumppad:
0x0: {  	(pc) =	sbr.rel $0x88, $3  }
0x1: {  	(tag) =	ssettag $0x0;
	lr =	simm.s32 $0x1  }
0x2: {  	[smem:$0x3F9F] =	sst lr;
	_ =	strace $0xD0000000  }
0x3: {  	_ = 	snop  }
0x4: {  	_ = 	snop  }
0x5: {  	_ = 	snop  }
0x6: {  	_ = 	snop  }
0x7: {  	_ = 	snop  }
__scs_overlays_trampoline_lowered:
0x8: {  	[smem:$0x3FAE] =	sst s0  }
0x9: {  	[smem:$0x3FAF] =	sst s1  }
0xa: {  	[smem:$0x3FB0] =	sst s2  }
0xb: {  	[smem:$0x3FB1] =	sst s3  }
0xc: {  	[smem:$0x3FB2] =	sst s4  }
0xd: {  	[smem:$0x3FB3] =	sst s5  }
0xe: {  	[smem:$0x3FB4] =	sst s6  }
0xf: {  	[smem:$0x3FB5] =	sst s7  }
0x10: {  	[smem:$0x3FB6] =	sst s8  }
0x11: {  	[smem:$0x3FB7] =	sst s9;
	s0 =	simm.s32 @!p0 $0x0  }
0x12: {  	s1 =	sld [smem:$0x3F9D];
	s0 =	simm.s32 @p0 $0x1  }
0x13: {  	[smem:$0x3FB8] =	sst s0;
	s0 =	simm.s32 @!p1 $0x0  }
0x14: {  	s2 =	sld [smem:$0x3F9C];
	s0 =	simm.s32 @p1 $0x1  }
0x15: {  	[smem:$0x3FB9] =	sst s0;
	s0 =	simm.s32 @!p2 $0x0  }
0x16: {  	s3 =	sld [smem:$0x3FDB];
	s0 =	simm.s32 @p2 $0x1  }
0x17: {  	s4 =	simm.s32 $0x1BF5;
	[smem:$0x3FBB] =	sst s0  }
0x18: {  	s0 =	sld [smem:$0x3F9E];
	_ =	swait.ge [sflag:s4], $0x0  }
0x19: {  	s7 =	sld [smem:$0x3F9F]  }
0x1a: {  	s8 =	sadd.s32 $0xFFFFE003, lr  }
0x1b: {  	s9 =	sadd.s32 $0xFFFFFEF7, lr;
	s5 =	simm.s32 $0xFFFFFFFF;
	p2 =	slt.u32 s8, $0xFFFFF086  }
0x1c: {  	p1 =	slt.u32 s9, $0xF7A;
	s5 =	simm.s32 @!p2 $0x0  }
0x1d: {  	s5 =	simm.s32 @p1 $0x1;
	p0 =	seq.s32 s7, s2  }
0x1e: {  	s7 =	smul.u32 @!p0 $0xF7A, s2;
	p2 =	seq.s32 @!p0 s5, $0x0  }
0x1f: {  	s9 =	smul.u32 $0xF7A, s1;
	s8 =	simm.s32 @!p0 $0x1BF5;
	p2 =	por !p2, p0  }
0x20: {  	[sflag:s8] =	ssyncset.s32 @!p0 $0xFFFFF086;
	s6 =	sadd.s32 @!p0 s3, s7;
	s7 =	simm.s32 @!p0 $0x108  }
0x21: {  	s3 =	sadd.s32 s3, s9;
	s6 =	sadd.s32 @!p0 $0x88, s6;
	s7 =	simm.s32 @p2 $0x1082  }
0x22: {  	[simem:s7], [sflag:s8] =	dma.local @!p0 [hbm:s6], $0xF7A  }
0x23: {  	s9 =	sor.u32 $0xD0000000, s2;
	s6 =	simm.s32 $0x108;
	_ =	swait.ge @!p0 [sflag:s8], $0x0  }
0x24: {  	s3 =	sadd.s32 $0x88, s3;
	s6 =	simm.s32 @!p1 $0x1082;
	[sflag:s4] =	ssyncset.s32 $0xFFFFF086  }
0x25: {  	[simem:s6], [sflag:s4] =	dma.local [hbm:s3], $0xF7A  }
0x26: {  	[smem:$0x3F9F] =	sst s1;
	(tag) =	ssettag s2;
	_ =	strace s9  }
0x27: {  	s1 =	sld [smem:$0x3FAF]  }
0x28: {  	s2 =	sld [smem:$0x3FB0]  }
0x29: {  	s4 =	sld [smem:$0x3FB2]  }
0x2a: {  	p0 =	seq.s32 s5, $0x0;
	s5 =	sld [smem:$0x3FB3]  }
0x2b: {  	s6 =	sld [smem:$0x3FB4]  }
0x2c: {  	s7 =	sld [smem:$0x3FB5]  }
0x2d: {  	s3 =	simm.s32 $0x108;
	s8 =	sld [smem:$0x3FB6]  }
0x2e: {  	s3 =	simm.s32 @!p0 $0x1082;
	s9 =	sld [smem:$0x3FB7]  }
0x2f: {  	lr =	sadd.s32 s0, s3;
	s0 =	sld [smem:$0x3FAE]  }
0x30: {  	s3 =	sld [smem:$0x3FB1]  }
0x31: {  	[smem:$0x3FBA] =	sst s10  }
0x32: {  	s10 =	sld [smem:$0x3FB8];
	_ =	sdelay $0x3  }
0x33: {  	p0 =	seq.s32 s10, $0x1;
	s10 =	sld [smem:$0x3FBA];
	_ =	sdelay $0x3  }
0x34: {  	[smem:$0x3FBA] =	sst s10  }
0x35: {  	s10 =	sld [smem:$0x3FB9];
	_ =	sdelay $0x3  }
0x36: {  	p1 =	seq.s32 s10, $0x1;
	s10 =	sld [smem:$0x3FBA];
	_ =	sdelay $0x3  }
0x37: {  	[smem:$0x3FBA] =	sst s10  }
0x38: {  	s10 =	sld [smem:$0x3FBB]  }
0x39: {  	_ = 	snop;
	(pc) =	sbr.ind lr, $3  }
0x3a: {  	_ = 	snop  }
0x3b: {  	_ = 	snop  }
0x3c: {  	p2 =	seq.s32 s10, $0x1;
	s10 =	sld [smem:$0x3FBA]  }
0x3d: {  	_ =	shalt  }
0x3e: {  	_ =	shalt  }
0x3f: {  	_ =	shalt  }
0x40: {  	_ =	shalt  }
0x41: {  	_ =	shalt  }
0x42: {  	_ =	shalt  }
0x43: {  	_ =	shalt  }
0x44: {  	_ =	shalt  }
0x45: {  	_ =	shalt  }
0x46: {  	_ =	shalt  }
0x47: {  	_ =	shalt  }
0x48: {  	_ =	shalt  }
0x49: {  	_ =	shalt  }
0x4a: {  	_ =	shalt  }
0x4b: {  	_ =	shalt  }
0x4c: {  	_ =	shalt  }
0x4d: {  	_ =	shalt  }
0x4e: {  	_ =	shalt  }
0x4f: {  	_ =	shalt  }
0x50: {  	_ =	shalt  }
0x51: {  	_ =	shalt  }
0x52: {  	_ =	shalt  }
0x53: {  	_ =	shalt  }
0x54: {  	_ =	shalt  }
0x55: {  	_ =	shalt  }
0x56: {  	_ =	shalt  }
0x57: {  	_ =	shalt  }
0x58: {  	_ =	shalt  }
0x59: {  	_ =	shalt  }
0x5a: {  	_ =	shalt  }
0x5b: {  	_ =	shalt  }
0x5c: {  	_ =	shalt  }
0x5d: {  	_ =	shalt  }
0x5e: {  	_ =	shalt  }
0x5f: {  	_ =	shalt  }
0x60: {  	_ =	shalt  }
0x61: {  	_ =	shalt  }
0x62: {  	_ =	shalt  }
0x63: {  	_ =	shalt  }
0x64: {  	_ =	shalt  }
0x65: {  	_ =	shalt  }
0x66: {  	_ =	shalt  }
0x67: {  	_ =	shalt  }
0x68: {  	_ =	shalt  }
0x69: {  	_ =	shalt  }
0x6a: {  	_ =	shalt  }
0x6b: {  	_ =	shalt  }
0x6c: {  	_ =	shalt  }
0x6d: {  	_ =	shalt  }
0x6e: {  	_ =	shalt  }
0x6f: {  	_ =	shalt  }
0x70: {  	_ =	shalt  }
0x71: {  	_ =	shalt  }
0x72: {  	_ =	shalt  }
0x73: {  	_ =	shalt  }
0x74: {  	_ =	shalt  }
0x75: {  	_ =	shalt  }
0x76: {  	_ =	shalt  }
0x77: {  	_ =	shalt  }
0x78: {  	_ =	shalt  }
0x79: {  	_ =	shalt  }
0x7a: {  	_ =	shalt  }
0x7b: {  	_ =	shalt  }
0x7c: {  	_ =	shalt  }
0x7d: {  	_ =	shalt  }
0x7e: {  	_ =	shalt  }
0x7f: {  	_ =	shalt  }
0x80: {  	_ =	shalt  }
0x81: {  	_ =	shalt  }
0x82: {  	_ =	shalt  }
0x83: {  	_ =	shalt  }
0x84: {  	_ =	shalt  }
0x85: {  	_ =	shalt  }
0x86: {  	_ =	shalt  }
0x87: {  	_ =	shalt  }
.Lfunc_end0:
.L_simem_size_0:
called_computation_lowered:
.L_overlay_start_0:
0x88: {  	s2 =	sld [smem:$0x3FD9]  }
0x89: {  	s3 =	sld [smem:$0x3FFE];
	_ =	sdelay $0x1  }
0x8a: {  	s1 =	srdreg.scid  }
0x8b: {  	s0 =	sand.u32 $0x1, s1  }
0x8c: {  	s17 =	sshll.u32 s0, $0xA;
	s2 =	sadd.s32 s3, s2  }
0x8d: {  	s2 =	sadd.s32 s2, s17  }
0x8e: {  	[smem:$0x3FC6] =	sst s2  }
0x8f: {  	_ = 	snop  }
0x90: {  	s2 =	sld [smem:$0x3FC8]  }
0x91: {  	s18 =	sld [smem:$0x3FD0];
	(tm) =	ssettm $0x1  }
0x92: {  	s4 =	sld [smem:$0x3FFB];
	_ =	sdelay $0x3  }
0x93: {  	_ =	strace s4  }
0x94: {  	s4 =	sld [smem:$0x3FFC];
	_ =	sdelay $0x3  }
0x95: {  	_ =	strace s4  }
0x96: {  	s4 =	sld [smem:$0x3FFD];
	_ =	sdelay $0x3  }
0x97: {  	_ =	strace s4  }
0x98: {  	_ =	strace $0x8FFFFFFF  }
0x99: {  	s19 =	sld [smem:$0x3FDB];
	_ =	sdelay $0x1  }
0x9a: {  	s5 =	simm.s32 $_scs_section_size  }
0x9b: {  	s6 =	simm.s32 $_size__tile_overlayer_lowered;
	s7 =	simm.s32 $_tile_overlayer_lowered  }
0x9c: {  	s22 =	simm.s32 $0x1BFF;
	s21 =	sshll.u32 s7, $0x1;
	s4 =	sadd.s32 s5, s19  }
0x9d: {  	s8 =	simm.s32 $0x0;
	s20 =	sshll.u32 s6, $0x1;
	s6 =	sadd.s32 s21, s4  }
0x9e: {  	[timem:s8], [sflag:s22] =	dma.local [hbm:s6], s20  }
0x9f: {  	_ =	swait.ge [sflag:s22], s20  }
0xa0: {  	s5 =	ssub.s32 $0x0, s20;
	[sflag:s22] =	ssyncset.done $0x0  }
0xa1: {  	[sflag:s22] =	ssyncadd.s32 s5;
	_ =	sdelay $0x1  }
0xa2: {  	s23 =	simm.s32 $0x1B8B  }
0xa3: {  	_ =	swait.ge [sflag:s23], $0x1  }
0xa4: {  	[sflag:s23] =	ssyncset.done $0x0  }
0xa5: {  	s25 =	simm.s32 $0x1B8E;
	s24 =	sld [smem:$0x3FFE];
	[sflag:s23] =	ssyncadd.s32 $0xFFFFFFFF  }
0xa6: {  	s26 =	simm.s32 $execute0_lowered;
	[smem:$0x3FD2] =	sst s25  }
0xa7: {  	s6 =	sshll.u32 s26, $0x1;
	_ =	strace $0x80000046;
	[dreg:$0x1] =	wrdreg $0xFFFFFFFF  }
0xa8: {  	s28 =	simm.s32 $_size_execute0_lowered;
	s4 =	sadd.s32 s4, s6;
	[dreg:$0x0] =	wrdreg $0x0  }
0xa9: {  	s6 =	sshll.u32 s28, $0x1;
	[dreg:$0x2] =	wrdreg s4  }
0xaa: {  	[dreg:$0x3] =	wrdreg s6  }
0xab: {  	[dreg:$0x4] =	wrdreg $0xC0  }
0xac: {  	_ =	task [dreg:s8], $0x5FFFF  }
0xad: {  	[dreg:$0x1] =	wrdreg $0xFFFFFFFF  }
0xae: {  	[dreg:$0x0] =	wrdreg $0x60  }
0xaf: {  	[dreg:$0x2] =	wrdreg s2  }
0xb0: {  	[dreg:$0x3] =	wrdreg s18  }
0xb1: {  	[dreg:$0x4] =	wrdreg s24  }
0xb2: {  	[dreg:$0x5] =	wrdreg $0x9  }
0xb3: {  	_ =	task.clear_ibuf [dreg:s8], $0x6FFFF;
	_ =	strace $0x90000046  }
0xb4: {  	s29 =	simm.s32 $0x9;
	_ =	strace $0x80000048  }
0xb5: {  	_ =	swait.ge [sflag:s29], $0x1  }
0xb6: {  	[sflag:s29] =	ssyncadd.s32 $0xFFFFFFFF  }
0xb7: {  	_ =	strace $0x90000048  }
0xb8: {  	_ =	sfence  }
0xb9: {  	s30 =	sld [smem:$0x0];
	_ =	sdelay $0x2  }
0xba: {  	s31 =	sshll.u32 s1, $0xD;
	s1 =	sshrl.u32 s1, $0x2  }
0xbb: {  	s3 =	sand.u32 $0x4000, s31;
	s1 =	sadd.s32 s1, s30  }
0xbc: {  	s0 =	sor.u32 s3, s0;
	s1 =	sshll.u32 s1, $0x11  }
0xbd: {  	s0 =	sor.u32 s1, s0  }
0xbe: {  	s0 =	sadd.s32 $0x8F2B, s0  }
0xbf: {  	[sflag:s0] =	ssyncadd.remote.s32 $0x1  }
0xc0: {  	_ =	sfence.sel $0xFFFF  }
0xc1: {  	[dreg:$0x0] =	wrdreg $0xFFFFFFFF;
	(pc) =	sbr.abs _section_cstart, $3  }
0xc2: {  	[dreg:$0x1] =	wrdreg $0xFFFFFFFF  }
0xc3: {  	_ =	task.clear_ibuf [dreg:s8], $0x2FFFF;
	_ =	strace $0x9FFFFFFF  }
0xc4: {  	(tm) =	ssettm $0x7FFFFFFF  }
0xc5: {  	_ =	shalt  }
tec
execute0_lowered:
.L_overlay_start_1:
0x0: {  	(tag) =	ssettag $0x1  }
0x1: {  	s1 =	rddreg [dreg:$0x0]  }
0x2: {  	s4 =	rddreg [dreg:$0x1]  }
0x3: {  	s5 =	rddreg [dreg:$0x2]  }
0x4: {  	s3 =	simm.s32 $0x0;
	s6 =	srdreg.scid;
	s0 =	stileid.u32  }
0x5: {  	s11 =	simm.s32 $0x5C00;
	s12 =	simm.s32 $0x100;
	s13 =	simm.s32 $0x7800  }
0x6: {  	s14 =	simm.s32 $0x180;
	s15 =	simm.s32 $0x9400;
	s16 =	simm.s32 $0x200  }
0x7: {  	s17 =	simm.s32 $0xB000;
	s18 =	simm.s32 $0x280;
	s19 =	simm.s32 $0xCC00  }
0x8: {  	s20 =	simm.s32 $0x300;
	s21 =	simm.s32 $0xE800;
	s22 =	simm.s32 $0x380  }
0x9: {  	s23 =	simm.s32 $0x10400;
	s24 =	simm.s32 $0x5;
	s25 =	simm.s32 $0x0  }
0xa: {  	[smem:$0x7FF] =	sst s3;
	s6 =	sand.u32 $0x1, s6;
	s7 =	smul.u32 $0x38000, s0  }
0xb: {  	s9 =	sshll.u32 s0, $0xC;
	_ =	strace $0x80000047;
	s8 =	ssub.s32 $0x2, s6  }
0xc: {  	s10 =	sshll.u32 s6, $0xB;
	s6 =	smul.u32 $0x1C000, s6;
	s31 =	sshrl.u32 s8, $0x1  }
0xd: {  	s5 =	sadd.s32 s7, s5;
	s9 =	sor.u32 s10, s9;
	s7 =	ssub.s32 s8, s31  }
0xe: {  	s4 =	sadd.s32 s4, s9;
	s6 =	sadd.s32 s6, s5;
	s8 =	simm.s32 $0x32  }
0xf: {  	s5 =	smax.u32 s7, $0x1;
	s6 =	sadd.s32 $0x400, s6;
	s7 =	simm.s32 $0x7  }
.LBB2_1:
0x10: {  	[tilespmem:s3], [sflag:$0x7] =	stream.linear.gather [hbm4b:s4+s3], $0x4000, $0x38;
	[tilespmem:$0x19000] =	vst v63  }
0x11: {  	_ =	swait.ge [sflag:s7], $0x4000  }
0x12: {  	[sflag:s7] =	ssyncset.done $0x0  }
0x13: {  	s0 =	simm.s32 $0x4000;
	[sflag:s7] =	ssyncadd.s32 $0xFFFFC000  }
0x14: {  	[tilespmem:s0], [sflag:$0x1] =	stream.indirect.gather [hbm4b:s1+s8], $0x80, s3, s8, $0xb8;
	[tilespmem:$0x19000] =	vst v63  }
0x15: {  	s31 =	simm.s32 $0x80  }
0x16: {  	[tilespmem:s11], [sflag:$0x1] =	stream.indirect.gather [hbm4b:s1+s8], $0x80, s31, s8, $0xb8;
	[tilespmem:$0x19000] =	vst v63  }
0x17: {  	_ = 	snop  }
0x18: {  	[tilespmem:s13], [sflag:$0x1] =	stream.indirect.gather [hbm4b:s1+s8], $0x80, s12, s8, $0xb8;
	[tilespmem:$0x19000] =	vst v63  }
0x19: {  	_ = 	snop  }
0x1a: {  	[tilespmem:s15], [sflag:$0x1] =	stream.indirect.gather [hbm4b:s1+s8], $0x80, s14, s8, $0xb8;
	[tilespmem:$0x19000] =	vst v63  }
0x1b: {  	_ = 	snop  }
0x1c: {  	[tilespmem:s17], [sflag:$0x2] =	stream.indirect.gather [hbm4b:s1+s8], $0x80, s16, s8, $0xb8;
	[tilespmem:$0x19000] =	vst v63  }
0x1d: {  	_ = 	snop  }
0x1e: {  	[tilespmem:s19], [sflag:$0x2] =	stream.indirect.gather [hbm4b:s1+s8], $0x80, s18, s8, $0xb8;
	[tilespmem:$0x19000] =	vst v63  }
0x1f: {  	_ = 	snop  }
0x20: {  	[tilespmem:s21], [sflag:$0x2] =	stream.indirect.gather [hbm4b:s1+s8], $0x80, s20, s8, $0xb8;
	[tilespmem:$0x19000] =	vst v63  }
0x21: {  	s26 =	simm.s32 $0x0;
	s28 =	smov.u32 s6;
	s29 =	simm.s32 $0x0  }
0x22: {  	[tilespmem:s23], [sflag:$0x2] =	stream.indirect.gather [hbm4b:s1+s8], $0x80, s22, s8, $0xb8;
	[tilespmem:$0x19000] =	vst v63  }
.LBB2_2:
0x23: {  	s30 =	smul.u32 $0xAB, s29;
	_ =	sdelay $0x1  }
0x24: {  	s31 =	sadd.s32 $0x156, s30  }
0x25: {  	s31 =	sshrl.u32 s31, $0x9  }
0x26: {  	s31 =	sand.u32 $0x7F, s31  }
0x27: {  	s31 =	smul.u32 $0x3, s31;
	_ =	sdelay $0x1  }
0x28: {  	s31 =	ssub.s32 s29, s31  }
0x29: {  	s31 =	sadd.s32 $0x2, s31  }
0x2a: {  	p0 =	seq.s32 s26, $0x0;
	s31 =	sand.u32 $0xFF, s31  }
0x2b: {  	s0 =	sadd.s32 @!p0 $0x4, s31  }
0x2c: {  	p1 =	sgt.u32 @!p0 s29, $0x1D;
	_ =	swait.ge @!p0 [sflag:s0], $0x6400  }
0x2d: {  	p1 =	por p0, !p1;
	[sflag:s0] =	ssyncset.done @!p0 $0x0  }
0x2e: {  	[sflag:s0] =	ssyncadd.s32 @!p0 $0xFFFF9C00;
	s0 =	smul.u32 @p1 $0x1C000, s31;
	_ =	sdelay $0x1  }
0x2f: {  	s2 =	sshra.s32 @p1 s26, $0x2;
	s0 =	sshrl.u32 @p1 s0, $0x2  }
0x30: {  	s10 =	sadd.s32 @p1 $0x400, s2;
	s31 =	sadd.s32 @p1 $0x1, s31;
	s9 =	sadd.s32 @p1 $0x4000, s0  }
0x31: {  	[tilespmem:s9], [sflag:s31] =	stream.indirect.gather @p1 [hbm4b:s1+s8], $0x80, s10, s8, $0xb8;
	[tilespmem:$0x19000] =	vst v63  }
0x32: {  	s9 =	sadd.s32 @p1 $0x5C00, s0;
	s10 =	sadd.s32 @p1 $0x480, s2  }
0x33: {  	[tilespmem:s9], [sflag:s31] =	stream.indirect.gather @p1 [hbm4b:s1+s8], $0x80, s10, s8, $0xb8;
	[tilespmem:$0x19000] =	vst v63  }
0x34: {  	s9 =	sadd.s32 @p1 $0x7800, s0;
	s10 =	sadd.s32 @p1 $0x500, s2  }
0x35: {  	[tilespmem:s9], [sflag:s31] =	stream.indirect.gather @p1 [hbm4b:s1+s8], $0x80, s10, s8, $0xb8;
	[tilespmem:$0x19000] =	vst v63  }
0x36: {  	s0 =	sadd.s32 @p1 $0x9400, s0;
	s2 =	sadd.s32 @p1 $0x580, s2;
	s9 =	sshrl.u32 s30, $0x9  }
0x37: {  	[tilespmem:s0], [sflag:s31] =	stream.indirect.gather @p1 [hbm4b:s1+s8], $0x80, s2, s8, $0xb8;
	[tilespmem:$0x19000] =	vst v63  }
0x38: {  	s0 =	sand.u32 $0x7F, s9  }
0x39: {  	s0 =	smul.u32 $0x3, s0;
	_ =	sdelay $0x1  }
0x3a: {  	s0 =	ssub.s32 s29, s0  }
0x3b: {  	s0 =	sand.u32 $0xFF, s0  }
0x3c: {  	s10 =	sadd.s32 $0x1, s0  }
0x3d: {  	_ =	swait.ge [sflag:s10], $0x1900  }
0x3e: {  	[sflag:s10] =	ssyncset.done $0x0  }
0x3f: {  	[sflag:s10] =	ssyncadd.s32 $0xFFFFE700  }
0x40: {  	_ =	swait.ge [sflag:s10], $0x1900  }
0x41: {  	[sflag:s10] =	ssyncset.done $0x0  }
0x42: {  	[sflag:s10] =	ssyncadd.s32 $0xFFFFE700  }
0x43: {  	_ =	swait.ge [sflag:s10], $0x1900  }
0x44: {  	[sflag:s10] =	ssyncset.done $0x0  }
0x45: {  	s30 =	smul.u32 $0x1C000, s0;
	[sflag:s10] =	ssyncadd.s32 $0xFFFFE700  }
0x46: {  	_ =	swait.ge [sflag:s10], $0x1900  }
0x47: {  	s26 =	sadd.s32 $0x800, s26;
	s9 =	sshrl.u32 s30, $0x2;
	[sflag:s10] =	ssyncset.done $0x0  }
0x48: {  	s0 =	sadd.s32 $0x4, s0;
	s31 =	sadd.s32 $0x4000, s9;
	[sflag:s10] =	ssyncadd.s32 $0xFFFFE700  }
0x49: {  	[hbm4b:s28+s3] =	stream.linear.scatter [tilespmem:s31], [sflag:s0], $0x1900, $0x38;
	[tilespmem:$0x19000] =	vst v63  }
0x4a: {  	p0 =	sne.s32 s26, $0x10000;
	s30 =	sadd.s32 $0x5C00, s9;
	s31 =	sadd.s32 $0x380, s28  }
0x4b: {  	[hbm4b:s31+s3] =	stream.linear.scatter [tilespmem:s30], [sflag:s0], $0x1900, $0x38;
	[tilespmem:$0x19000] =	vst v63  }
.Ltmp0:
0x4c: {  	_ = 	snop;
	(pc) =	sbr.rel @p0 .LBB2_2-.Ltmp0, $4  }
0x4d: {  	s29 =	sadd.s32 $0x1, s29;
	s30 =	sadd.s32 $0x7800, s9;
	s31 =	sadd.s32 $0x700, s28  }
0x4e: {  	[hbm4b:s31+s3] =	stream.linear.scatter [tilespmem:s30], [sflag:s0], $0x1900, $0x38;
	[tilespmem:$0x19000] =	vst v63  }
0x4f: {  	s30 =	sadd.s32 $0x9400, s9;
	s31 =	sadd.s32 $0xA80, s28;
	s28 =	sadd.s32 $0xE00, s28  }
0x50: {  	[hbm4b:s31+s3] =	stream.linear.scatter [tilespmem:s30], [sflag:s0], $0x1900, $0x38;
	[tilespmem:$0x19000] =	vst v63  }
0x51: {  	s25 =	sadd.s32 $0x1, s25  }
0x52: {  	p0 =	sne.s32 s25, s5  }
.Ltmp1:
0x53: {  	_ = 	snop;
	(pc) =	sbr.rel @p0 .LBB2_1-.Ltmp1, $4  }
0x54: {  	_ = 	snop  }
0x55: {  	_ =	swait.ge [sflag:s24], $0x6400  }
0x56: {  	[sflag:s24] =	ssyncset.done $0x0  }
0x57: {  	[sflag:s24] =	ssyncadd.s32 $0xFFFF9C00  }
0x58: {  	_ =	sfence.sel $0x180000  }
0x59: {  	[bflag:$0x0] =	sbarrier.arrive $0xFFFF  }
0x5a: {  	_ =	strace $0x90000047  }
0x5b: {  	s0 =	stileid.u32;
	[bflag:$0x2] =	sbarrier.arrive $0xFFFF  }
0x5c: {  	p0 =	sne.s32 s0, $0x0;
	s0 =	rddreg [dreg:$0x3]  }
0x5d: {  	s0 =	sadd.s32 @!p0 $0x100000, s0  }
0x5e: {  	[sflag:s0] =	ssyncadd.tile.s32 @!p0 $0x1;
	_ =	shalt  }
.Lfunc_end2:
_tile_overlayer_lowered:
.L_overlay_start_2:
0x5f: {  	(tag) =	ssettag $0x2  }
0x60: {  	s0 =	rddreg [dreg:$0x0];
	s2 =	stileid.u32  }
0x61: {  	s1 =	rddreg [dreg:$0x1];
	p0 =	sne.s32 s2, $0x0  }
0x62: {  	s3 =	rddreg [dreg:$0x2];
	[bflag:$0x3] =	sbarrier.arrive $0xFFFF;
	s2 =	simm.s32 @!p0 $0x1C07  }
0x63: {  	[timem:s3], [sflag:s2] =	dma.local @!p0 [hbm:s0], s1  }
0x64: {  	s0 =	simm.s32 @!p0 $0x7  }
0x65: {  	_ =	swait.ge @!p0 [sflag:s0], s1  }
0x66: {  	s1 =	ssub.s32 @!p0 $0x0, s1;
	[sflag:s0] =	ssyncset.done @!p0 $0x0  }
0x67: {  	[sflag:s0] =	ssyncadd.s32 @!p0 s1  }
0x68: {  	[bflag:$0x3] =	sbarrier.arrive $0xFFFF  }
0x69: {  	_ =	shalt  }

</sc_bundles>
